<compile_context>
chip_gen: v7x
topology: tpu7x:2x2x1
jax: 0.10.2.dev20260603
libtpu: 0.0.44.dev20260713+nightly
codegen_flags: <defaults>
</compile_context>

<pallas_src>
import jax
import jax.numpy as jnp
from jax import lax
from jax.experimental import pallas as pl
from jax.experimental.pallas import tpu as pltpu
from jax.experimental.pallas import tpu_sc as plsc

_B, _N, _C = 16, 20000, 85
_CONF = 0.25
_MAX_DET = 300
_OPAD = 304
_OV = _OPAD // 16
_SEL = 320
_GRP = 1024
_VPG = _GRP // 16
_SCAN0 = 4096
_NGRP = _N // _GRP
_TAIL0 = _NGRP * _GRP
_TAILV = (_N - _TAIL0) // 16
_SPAN = 1024
_NC = 2
_CH0 = 43
_OBJ_ROW = 4 * _B


def _sc_kernel(pred_hbm, out_hbm, rowbuf_ref, rowidx_ref, spanall_ref,
               outall_ref, sem, sem2, osem):
    wid = lax.axis_index("s") * _NC + lax.axis_index("c")
    b = wid >> 1
    half = wid & 1
    ch_lo = half * _CH0
    n_ch = _CH0 - half
    iota = lax.iota(jnp.int32, 16)

    pltpu.async_copy(
        pred_hbm.at[pl.ds(_OBJ_ROW + b, 1), pl.ds(0, _SCAN0)],
        rowbuf_ref.at[pl.ds(0, 1), pl.ds(0, _SCAN0)], sem2)

    def fire(ci, carry):
        pltpu.async_copy(
            pred_hbm.at[pl.ds((ch_lo + ci) * _B + b, 1), pl.ds(0, _SPAN)],
            spanall_ref.at[pl.ds(ci, 1)], sem)
        return carry

    lax.fori_loop(0, n_ch, fire, 0)

    pltpu.make_async_copy(
        pred_hbm.at[pl.ds(0, 1), pl.ds(0, _SCAN0)],
        rowbuf_ref.at[pl.ds(0, 1), pl.ds(0, _SCAN0)], sem2).wait()

    def _init(k, carry):
        rowidx_ref[pl.ds(k * 16, 16)] = jnp.zeros((16,), jnp.int32)
        return carry

    lax.fori_loop(0, _SEL // 16, _init, 0)

    def compact(base, nvec, cnt0):
        def vec_body(j, cnt2):
            v = rowbuf_ref[0, pl.ds(base + j * 16, 16)]
            m = v > _CONF
            plsc.store_compressed(
                rowidx_ref.at[pl.ds(jnp.minimum(cnt2, _MAX_DET), 16)],
                iota + (base + j * 16), mask=m)
            return cnt2 + plsc.all_reduce_population_count(m)[0]

        return lax.fori_loop(0, nvec, vec_body, cnt0)

    def grp(t, cnt):
        return lax.cond(
            cnt < _MAX_DET, lambda: compact(t * _GRP, _VPG, cnt), lambda: cnt)

    cnt = lax.fori_loop(0, _SCAN0 // _GRP, grp, 0)

    def scan_rest():
        pltpu.sync_copy(pred_hbm.at[pl.ds(_OBJ_ROW + b, 1)], rowbuf_ref)
        c2 = lax.fori_loop(_SCAN0 // _GRP, _NGRP, grp, cnt)
        return lax.cond(
            c2 < _MAX_DET, lambda: compact(_TAIL0, _TAILV, c2), lambda: c2)

    cnt = lax.cond(cnt < _MAX_DET, scan_rest, lambda: cnt)
    n_keep = jnp.minimum(cnt, _MAX_DET)
    last = jnp.maximum(n_keep - 1, 0)
    idx_max = rowidx_ref[pl.ds(last, 16)][0]

    def drain(ci, carry):
        pltpu.make_async_copy(
            pred_hbm.at[pl.ds(0, 1), pl.ds(0, _SPAN)],
            spanall_ref.at[pl.ds(0, 1)], sem).wait()
        return carry

    lax.fori_loop(0, n_ch, drain, 0)

    zero16 = jnp.zeros((16,), jnp.int32)
    zf16 = jnp.zeros((16,), jnp.float32)

    def u_body(u, carry):
        idxv = rowidx_ref[pl.ds(u * 16, 16)]
        jvec = iota + u * 16
        m = jnp.logical_and(jvec < n_keep, idxv < _SPAN)

        def ci_body(ci, carry2):
            g = plsc.load_gather(
                spanall_ref, [lax.broadcast(ci, (16,)), idxv], mask=m)
            outall_ref[ci, pl.ds(u * 16, 16)] = jnp.where(m, g, zf16)
            return carry2

        lax.fori_loop(0, n_ch, ci_body, 0)
        return carry

    lax.fori_loop(0, _OV, u_body, 0)

    @pl.when(idx_max >= _SPAN)
    def _full_rows():
        def ci_body(ci, carry):
            crow = (ch_lo + ci) * _B + b
            pltpu.async_copy(
                pred_hbm.at[pl.ds(crow, 1)], rowbuf_ref, sem2).wait()

            def jv2(u, carry2):
                idxv = rowidx_ref[pl.ds(u * 16, 16)]
                jvec = iota + u * 16
                m = jnp.logical_and(jvec < n_keep, idxv >= _SPAN)
                g = plsc.load_gather(rowbuf_ref, [zero16, idxv], mask=m)
                cur = outall_ref[ci, pl.ds(u * 16, 16)]
                outall_ref[ci, pl.ds(u * 16, 16)] = jnp.where(m, g, cur)
                return carry2

            lax.fori_loop(0, _OV, jv2, 0)
            return carry

        lax.fori_loop(0, n_ch, ci_body, 0)

    def wb(ci, carry):
        pltpu.async_copy(
            outall_ref.at[pl.ds(ci, 1)],
            out_hbm.at[pl.ds((ch_lo + ci) * _B + b, 1)], osem)
        return carry

    lax.fori_loop(0, n_ch, wb, 0)

    def odrain(ci, carry):
        pltpu.make_async_copy(
            out_hbm.at[pl.ds(0, 1)], outall_ref.at[pl.ds(0, 1)], osem).wait()
        return carry

    lax.fori_loop(0, n_ch, odrain, 0)


@jax.jit
def kernel(prediction):
    pred_t = jnp.transpose(prediction, (2, 0, 1)).reshape(_C * _B, _N)
    mesh = plsc.VectorSubcoreMesh(core_axis_name="c", subcore_axis_name="s")
    out2d = pl.kernel(
        _sc_kernel,
        out_type=jax.ShapeDtypeStruct((_C * _B, _OPAD), jnp.float32),
        mesh=mesh,
        compiler_params=pltpu.CompilerParams(
            needs_layout_passes=False, use_tc_tiling_on_sc=True
        ),
        scratch_types=[
            pltpu.VMEM((1, _N), jnp.float32),
            pltpu.VMEM((_SEL,), jnp.int32),
            pltpu.VMEM((_CH0, _SPAN), jnp.float32),
            pltpu.VMEM((_CH0, _OPAD), jnp.float32),
            pltpu.SemaphoreType.DMA,
            pltpu.SemaphoreType.DMA,
            pltpu.SemaphoreType.DMA,
        ],
    )(pred_t)
    out_t = out2d.reshape(_C, _B, _OPAD)
    return jnp.transpose(out_t, (1, 2, 0))[:, :_MAX_DET, :]

# --- scband reference (transcript-rebuilt; emitter-appended) ---
"""Pipeline reference for scband-my-model-61933428409195 (READ-ONLY COPY).

The authoritative reference and input builder live on the scoring server;
editing this copy changes nothing except your own understanding.
"""

import jax, jax.numpy as jnp
import numpy as np

CONF_THRES = 0.25
MAX_DET = 300


def setup_inputs(seed: int = 0) -> dict:
    key = jax.random.key(seed)
    prediction = jax.random.normal(key, (16, 20000, 85), dtype=jnp.float32)
    return {"prediction": prediction}


def reference(prediction):
    # Faithful static-shape translation of the torch module.
    # torch returns a ragged list of per-image tensors [min(M_i,300), 85];
    # here we return a fixed [B, 300, 85] tensor with zero padding past the
    # per-image survivor count (identical values for the valid rows).
    B, N, C = prediction.shape
    nc = C - 5
    obj = prediction[..., 4]
    mask = obj > CONF_THRES  # xc: candidate filter
    # multi_label path (nc > 1): x2 = x1[x1[:,4] > conf_thres] which is the
    # same mask applied again -> identity on the already-filtered rows.
    # Stable-sort survivors to the front, preserving original order (matches
    # boolean-mask row order in torch), then take first MAX_DET rows.
    keys = jnp.where(mask, 0, 1).astype(jnp.int32)
    order = jnp.argsort(keys, axis=1)  # jnp.argsort is stable by default
    gathered = jnp.take_along_axis(prediction, order[:, :, None], axis=1)
    counts = jnp.sum(mask, axis=1)  # survivors per image
    top = gathered[:, :MAX_DET, :]
    valid = jnp.arange(MAX_DET)[None, :] < jnp.minimum(counts, MAX_DET)[:, None]
    out = jnp.where(valid[:, :, None], top, 0.0)
    return out

if __name__ == "__main__":
    import jax
    _d = setup_inputs()
    print(jax.jit(kernel)(*tuple(_d.values())))

</pallas_src>

<mosaic_0001>
#map = affine_map<(d0, d1) -> (0, 0)>
module attributes {stable_mosaic.version = 14 : i64} {
  func.func @_sc_kernel(%arg0: i32, %arg1: i32, %arg2: memref<1360x20000xf32, #tpu.memory_space<hbm>>, %arg3: memref<1360x304xf32, #tpu.memory_space<hbm>>, %arg4: memref<1x20000xf32, #tpu.memory_space<vmem>>, %arg5: memref<320xi32, #tpu.memory_space<vmem>>, %arg6: memref<43x1024xf32, #tpu.memory_space<vmem>>, %arg7: memref<43x304xf32, #tpu.memory_space<vmem>>, %arg8: memref<!tpu.dma_semaphore, #tpu.memory_space<semaphore_mem>>, %arg9: memref<!tpu.dma_semaphore, #tpu.memory_space<semaphore_mem>>, %arg10: memref<!tpu.dma_semaphore, #tpu.memory_space<semaphore_mem>>) attributes {dimension_semantics = [#tpu.dimension_semantics<core_parallel>, #tpu.dimension_semantics<subcore_parallel>], iteration_bounds = array<i64: 2, 16>, scalar_prefetch = 0 : i64, scratch_operands = 7 : i64, tpu.core_type = #tpu.core_type<sc_vector_subcore>, window_params = [{transform_indices = #map}, {transform_indices = #map}]} {
    %mul3A = arith.constant 2 : i32
    %mul3A_0 = arith.muli %arg1, %mul3A : i32
    %add3A = arith.addi %mul3A_0, %arg0 : i32
    %shift_right_arithmetic3A = arith.constant 1 : i32
    %shift_right_arithmetic3A_1 = arith.shrsi %add3A, %shift_right_arithmetic3A : i32
    %and3A = arith.constant 1 : i32
    %and3A_2 = arith.andi %add3A, %and3A : i32
    %mul3A_3 = arith.constant 43 : i32
    %mul3A_4 = arith.muli %and3A_2, %mul3A_3 : i32
    %sub3A = arith.constant 43 : i32
    %sub3A_5 = arith.subi %sub3A, %and3A_2 : i32
    %iota3A = tpu.iota {dimensions = array<i32: 0>} : vector<16xi32>
    %add3A_6 = arith.constant 64 : i32
    %add3A_7 = arith.addi %add3A_6, %shift_right_arithmetic3A_1 : i32
    %dma_start3A = arith.constant 0 : i32
    %dma_start3A_8 = arith.constant 0 : i32
    %dma_start3A_9 = tpu.memref_slice %arg4[%dma_start3A, %dma_start3A_8] : memref<1x20000xf32, #tpu.memory_space<vmem>> -> memref<1x4096xf32, #tpu.memory_space<vmem>>
    %dma_start3A_10 = arith.constant 0 : i32
    %dma_start3A_11 = tpu.memref_slice %arg2[%add3A_7, %dma_start3A_10] : memref<1360x20000xf32, #tpu.memory_space<hbm>> -> memref<1x4096xf32, #tpu.memory_space<hbm>>
    %dma_start3A_12 = arith.constant 0 : i32
    %dma_start3A_13 = arith.constant 0 : i32
    %dma_start3A_14 = tpu.memref_slice %arg4[%dma_start3A_12, %dma_start3A_13] : memref<1x20000xf32, #tpu.memory_space<vmem>> -> memref<1x4096xf32, #tpu.memory_space<vmem>>
    %dma_start3A_15 = arith.constant 0 : i32
    %dma_start3A_16 = tpu.memref_slice %arg2[%add3A_7, %dma_start3A_15] : memref<1360x20000xf32, #tpu.memory_space<hbm>> -> memref<1x4096xf32, #tpu.memory_space<hbm>>
    tpu.enqueue_dma source(%dma_start3A_16 : memref<1x4096xf32, #tpu.memory_space<hbm>>) target(%dma_start3A_14 : memref<1x4096xf32, #tpu.memory_space<vmem>>) target_semaphore(%arg9 : memref<!tpu.dma_semaphore, #tpu.memory_space<semaphore_mem>>)
    %while3A = arith.constant 0 : i32
    %while3A_17 = arith.constant 0 : i32
    %while3A_18 = arith.subi %sub3A_5, %while3A_17 : i32
    %while3A_19 = arith.addi %while3A_17, %while3A_18 : i32
    %while3A_20 = arith.constant 1 : i32
    %while3A_21 = arith.divsi %while3A_18, %while3A_20 : i32
    %while3A_22 = arith.muli %while3A_21, %while3A_20 : i32
    %while3A_23 = arith.addi %while3A_17, %while3A_22 : i32
    %while3A_24 = arith.constant 1 : i32
    scf.for %while3A_100 = %while3A_17 to %while3A_23 step %while3A_24  : i32 {
      %add3A_101 = arith.addi %mul3A_4, %while3A_100 : i32
      %mul3A_102 = arith.constant 16 : i32
      %mul3A_103 = arith.muli %add3A_101, %mul3A_102 : i32
      %add3A_104 = arith.addi %mul3A_103, %shift_right_arithmetic3A_1 : i32
      %dma_start3A_105 = arith.constant 0 : i32
      %dma_start3A_106 = tpu.memref_slice %arg6[%while3A_100, %dma_start3A_105] : memref<43x1024xf32, #tpu.memory_space<vmem>> -> memref<1x1024xf32, #tpu.memory_space<vmem>>
      %dma_start3A_107 = arith.constant 0 : i32
      %dma_start3A_108 = tpu.memref_slice %arg2[%add3A_104, %dma_start3A_107] : memref<1360x20000xf32, #tpu.memory_space<hbm>> -> memref<1x1024xf32, #tpu.memory_space<hbm>>
      %dma_start3A_109 = arith.constant 0 : i32
      %dma_start3A_110 = tpu.memref_slice %arg6[%while3A_100, %dma_start3A_109] : memref<43x1024xf32, #tpu.memory_space<vmem>> -> memref<1x1024xf32, #tpu.memory_space<vmem>>
      %dma_start3A_111 = arith.constant 0 : i32
      %dma_start3A_112 = tpu.memref_slice %arg2[%add3A_104, %dma_start3A_111] : memref<1360x20000xf32, #tpu.memory_space<hbm>> -> memref<1x1024xf32, #tpu.memory_space<hbm>>
      tpu.enqueue_dma source(%dma_start3A_112 : memref<1x1024xf32, #tpu.memory_space<hbm>>) target(%dma_start3A_110 : memref<1x1024xf32, #tpu.memory_space<vmem>>) target_semaphore(%arg8 : memref<!tpu.dma_semaphore, #tpu.memory_space<semaphore_mem>>)
    }
    %while3A_25 = arith.constant 1 : i32
    scf.for %while3A_100 = %while3A_23 to %while3A_19 step %while3A_25  : i32 {
      %add3A_101 = arith.addi %mul3A_4, %while3A_100 : i32
      %mul3A_102 = arith.constant 16 : i32
      %mul3A_103 = arith.muli %add3A_101, %mul3A_102 : i32
      %add3A_104 = arith.addi %mul3A_103, %shift_right_arithmetic3A_1 : i32
      %dma_start3A_105 = arith.constant 0 : i32
      %dma_start3A_106 = tpu.memref_slice %arg6[%while3A_100, %dma_start3A_105] : memref<43x1024xf32, #tpu.memory_space<vmem>> -> memref<1x1024xf32, #tpu.memory_space<vmem>>
      %dma_start3A_107 = arith.constant 0 : i32
      %dma_start3A_108 = tpu.memref_slice %arg2[%add3A_104, %dma_start3A_107] : memref<1360x20000xf32, #tpu.memory_space<hbm>> -> memref<1x1024xf32, #tpu.memory_space<hbm>>
      %dma_start3A_109 = arith.constant 0 : i32
      %dma_start3A_110 = tpu.memref_slice %arg6[%while3A_100, %dma_start3A_109] : memref<43x1024xf32, #tpu.memory_space<vmem>> -> memref<1x1024xf32, #tpu.memory_space<vmem>>
      %dma_start3A_111 = arith.constant 0 : i32
      %dma_start3A_112 = tpu.memref_slice %arg2[%add3A_104, %dma_start3A_111] : memref<1360x20000xf32, #tpu.memory_space<hbm>> -> memref<1x1024xf32, #tpu.memory_space<hbm>>
      tpu.enqueue_dma source(%dma_start3A_112 : memref<1x1024xf32, #tpu.memory_space<hbm>>) target(%dma_start3A_110 : memref<1x1024xf32, #tpu.memory_space<vmem>>) target_semaphore(%arg8 : memref<!tpu.dma_semaphore, #tpu.memory_space<semaphore_mem>>)
    }
    %dma_wait3A = arith.constant 0 : i32
    %dma_wait3A_26 = arith.constant 0 : i32
    %dma_wait3A_27 = tpu.memref_slice %arg4[%dma_wait3A, %dma_wait3A_26] : memref<1x20000xf32, #tpu.memory_space<vmem>> -> memref<1x4096xf32, #tpu.memory_space<vmem>>
    %dma_wait3A_28 = arith.constant 0 : i32
    %dma_wait3A_29 = arith.constant 0 : i32
    %dma_wait3A_30 = tpu.memref_slice %arg2[%dma_wait3A_28, %dma_wait3A_29] : memref<1360x20000xf32, #tpu.memory_space<hbm>> -> memref<1x4096xf32, #tpu.memory_space<hbm>>
    %dma_wait3A_31 = arith.constant 0 : i32
    %dma_wait3A_32 = arith.constant 0 : i32
    %dma_wait3A_33 = tpu.memref_slice %arg4[%dma_wait3A_31, %dma_wait3A_32] : memref<1x20000xf32, #tpu.memory_space<vmem>> -> memref<1x4096xf32, #tpu.memory_space<vmem>>
    %dma_wait3A_34 = arith.constant 0 : i32
    %dma_wait3A_35 = arith.constant 0 : i32
    %dma_wait3A_36 = tpu.memref_slice %arg2[%dma_wait3A_34, %dma_wait3A_35] : memref<1360x20000xf32, #tpu.memory_space<hbm>> -> memref<1x4096xf32, #tpu.memory_space<hbm>>
    tpu.wait_dma2 semaphore(%arg9 : memref<!tpu.dma_semaphore, #tpu.memory_space<semaphore_mem>>) src(%dma_wait3A_36 : memref<1x4096xf32, #tpu.memory_space<hbm>>) dst(%dma_wait3A_33 : memref<1x4096xf32, #tpu.memory_space<vmem>>)
    %scan3A = arith.constant 0 : i32
    %scan3A_37 = arith.constant 0 : i32
    %scan3A_38 = arith.constant 20 : i32
    %scan3A_39 = arith.addi %scan3A_37, %scan3A_38 : i32
    %scan3A_40 = arith.constant 1 : i32
    scf.for %scan3A_100 = %scan3A_37 to %scan3A_39 step %scan3A_40  : i32 {
      %broadcast_in_dim3A_101 = arith.constant 0 : i32
      %broadcast_in_dim3A_102 = vector.broadcast %broadcast_in_dim3A_101 : i32 to vector<16xi32>
      %mul3A_103 = arith.constant 16 : i32
      %mul3A_104 = arith.muli %scan3A_100, %mul3A_103 : i32
      %swap3A = arith.index_cast %mul3A_104 : i32 to index
      %swap3A_105 = tpu.vector_load %arg5[%swap3A] {strides = array<i32>} : memref<320xi32, #tpu.memory_space<vmem>>, vector<16xi32>,
      tpu.vector_store %arg5[%swap3A], %broadcast_in_dim3A_102 {strides = array<i32>} : memref<320xi32, #tpu.memory_space<vmem>>, vector<16xi32>,
    }
    %scan3A_41 = arith.constant 20 : i32
    %scan3A_42 = arith.constant 0 : i32
    %scan3A_43 = arith.constant 0 : i32
    %scan3A_44 = arith.constant 4 : i32
    %scan3A_45 = arith.addi %scan3A_43, %scan3A_44 : i32
    %scan3A_46 = arith.constant 1 : i32
    %scan3A_47 = scf.for %scan3A_100 = %scan3A_43 to %scan3A_45 step %scan3A_46 iter_args(%scan3A_101 = %scan3A_42) -> (i32)  : i32 {
      %lt3A_102 = arith.constant 300 : i32
      %lt3A_103 = arith.cmpi slt, %scan3A_101, %lt3A_102 : i32
      %convert_element_type3A_104 = arith.extui %lt3A_103 : i1 to i32
      %cond3A_105 = arith.constant 0 : i32
      %cond3A_106 = arith.cmpi ne, %convert_element_type3A_104, %cond3A_105 : i32
      %cond3A_107 = scf.if %cond3A_106 -> (i32) {
        %mul3A_108 = arith.constant 1024 : i32
        %mul3A_109 = arith.muli %scan3A_100, %mul3A_108 : i32
        %scan3A_110 = arith.constant 0 : i32
        %scan3A_111 = arith.constant 64 : i32
        %scan3A_112 = arith.addi %scan3A_110, %scan3A_111 : i32
        %scan3A_113 = arith.constant 1 : i32
        %scan3A_114 = scf.for %scan3A_116 = %scan3A_110 to %scan3A_112 step %scan3A_113 iter_args(%scan3A_117 = %scan3A_101) -> (i32)  : i32 {
          %mul3A_118 = arith.constant 16 : i32
          %mul3A_119 = arith.muli %scan3A_116, %mul3A_118 : i32
          %add3A_120 = arith.addi %mul3A_109, %mul3A_119 : i32
          %get3A_121 = arith.constant 0 : i32
          %get3A_122 = arith.index_cast %get3A_121 : i32 to index
          %get3A_123 = arith.index_cast %add3A_120 : i32 to index
          %get3A_124 = tpu.vector_load %arg4[%get3A_122, %get3A_123] {strides = array<i32>} : memref<1x20000xf32, #tpu.memory_space<vmem>>, vector<16xf32>,
          %gt3A = arith.constant 2.500000e-01 : f32
          %gt3A_125 = vector.broadcast %gt3A : f32 to vector<16xf32>
          %gt3A_126 = arith.cmpf ogt, %get3A_124, %gt3A_125 : vector<16xf32>
          %min3A_127 = arith.constant 300 : i32
          %min3A_128 = arith.minsi %scan3A_117, %min3A_127 : i32
          %mul3A_129 = arith.constant 16 : i32
          %mul3A_130 = arith.muli %scan3A_116, %mul3A_129 : i32
          %add3A_131 = arith.addi %mul3A_109, %mul3A_130 : i32
          %add3A_132 = vector.broadcast %add3A_131 : i32 to vector<16xi32>
          %add3A_133 = arith.addi %iota3A, %add3A_132 : vector<16xi32>
          %swap3A = arith.index_cast %min3A_128 : i32 to index
          %swap3A_134 = tpu.vector_load %arg5[%swap3A] masked %gt3A_126 {strides = array<i32>} : memref<320xi32, #tpu.memory_space<vmem>>, vector<16xi32>, vector<16xi1>
          tpu.vector_store %arg5[%swap3A], %add3A_133 masked %gt3A_126 {strides = array<i32>} : memref<320xi32, #tpu.memory_space<vmem>>, vector<16xi32>, vector<16xi1>
          %all_reduce_population_count3A = tpu.all_reduce %gt3A_126 {dim = 0 : i64, kind = #tpu.reduction_kind<sum>} : vector<16xi1> -> vector<16xi32>
          %slice3A_135 = vector.extract_strided_slice %all_reduce_population_count3A {offsets = [0], sizes = [1], strides = [1]} : vector<16xi32> to vector<1xi32>
          %squeeze3A_136 = vector.extract %slice3A_135[0] : i32 from vector<1xi32>
          %add3A_137 = arith.addi %scan3A_117, %squeeze3A_136 : i32
          scf.yield %add3A_137 : i32
        }
        %scan3A_115 = arith.constant 64 : i32
        scf.yield %scan3A_114 : i32
      } else {
        scf.yield %scan3A_101 : i32
      }
      scf.yield %cond3A_107 : i32
    }
    %scan3A_48 = arith.constant 4 : i32
    %lt3A = arith.constant 300 : i32
    %lt3A_49 = arith.cmpi slt, %scan3A_47, %lt3A : i32
    %convert_element_type3A = arith.extui %lt3A_49 : i1 to i32
    %cond3A = arith.constant 0 : i32
    %cond3A_50 = arith.cmpi ne, %convert_element_type3A, %cond3A : i32
    %cond3A_51 = scf.if %cond3A_50 -> (i32) {
      %add3A_100 = arith.constant 64 : i32
      %add3A_101 = arith.addi %add3A_100, %shift_right_arithmetic3A_1 : i32
      "tpu.region"() ({
        %run_scoped3A = tpu.sem_alloc : memref<!tpu.dma_semaphore, #tpu.memory_space<semaphore_mem>>
        %dma_start3A_114 = arith.constant 0 : i32
        %dma_start3A_115 = tpu.memref_slice %arg2[%add3A_101, %dma_start3A_114] : memref<1360x20000xf32, #tpu.memory_space<hbm>> -> memref<1x20000xf32, #tpu.memory_space<hbm>>
        %dma_start3A_116 = arith.constant 0 : i32
        %dma_start3A_117 = tpu.memref_slice %arg2[%add3A_101, %dma_start3A_116] : memref<1360x20000xf32, #tpu.memory_space<hbm>> -> memref<1x20000xf32, #tpu.memory_space<hbm>>
        tpu.enqueue_dma source(%dma_start3A_117 : memref<1x20000xf32, #tpu.memory_space<hbm>>) target(%arg4 : memref<1x20000xf32, #tpu.memory_space<vmem>>) target_semaphore(%run_scoped3A : memref<!tpu.dma_semaphore, #tpu.memory_space<semaphore_mem>>)
        %dma_wait3A_118 = arith.constant 0 : i32
        %dma_wait3A_119 = tpu.memref_slice %arg2[%add3A_101, %dma_wait3A_118] : memref<1360x20000xf32, #tpu.memory_space<hbm>> -> memref<1x20000xf32, #tpu.memory_space<hbm>>
        %dma_wait3A_120 = arith.constant 0 : i32
        %dma_wait3A_121 = tpu.memref_slice %arg2[%add3A_101, %dma_wait3A_120] : memref<1360x20000xf32, #tpu.memory_space<hbm>> -> memref<1x20000xf32, #tpu.memory_space<hbm>>
        tpu.wait_dma2 semaphore(%run_scoped3A : memref<!tpu.dma_semaphore, #tpu.memory_space<semaphore_mem>>) src(%dma_wait3A_121 : memref<1x20000xf32, #tpu.memory_space<hbm>>) dst(%arg4 : memref<1x20000xf32, #tpu.memory_space<vmem>>)
        tpu.yield
      }) : () -> ()
      %scan3A_102 = arith.constant 4 : i32
      %scan3A_103 = arith.constant 15 : i32
      %scan3A_104 = arith.addi %scan3A_102, %scan3A_103 : i32
      %scan3A_105 = arith.constant 1 : i32
      %scan3A_106 = scf.for %scan3A_114 = %scan3A_102 to %scan3A_104 step %scan3A_105 iter_args(%scan3A_115 = %scan3A_47) -> (i32)  : i32 {
        %lt3A_116 = arith.constant 300 : i32
        %lt3A_117 = arith.cmpi slt, %scan3A_115, %lt3A_116 : i32
        %convert_element_type3A_118 = arith.extui %lt3A_117 : i1 to i32
        %cond3A_119 = arith.constant 0 : i32
        %cond3A_120 = arith.cmpi ne, %convert_element_type3A_118, %cond3A_119 : i32
        %cond3A_121 = scf.if %cond3A_120 -> (i32) {
          %mul3A_122 = arith.constant 1024 : i32
          %mul3A_123 = arith.muli %scan3A_114, %mul3A_122 : i32
          %scan3A_124 = arith.constant 0 : i32
          %scan3A_125 = arith.constant 64 : i32
          %scan3A_126 = arith.addi %scan3A_124, %scan3A_125 : i32
          %scan3A_127 = arith.constant 1 : i32
          %scan3A_128 = scf.for %scan3A_130 = %scan3A_124 to %scan3A_126 step %scan3A_127 iter_args(%scan3A_131 = %scan3A_115) -> (i32)  : i32 {
            %mul3A_132 = arith.constant 16 : i32
            %mul3A_133 = arith.muli %scan3A_130, %mul3A_132 : i32
            %add3A_134 = arith.addi %mul3A_123, %mul3A_133 : i32
            %get3A_135 = arith.constant 0 : i32
            %get3A_136 = arith.index_cast %get3A_135 : i32 to index
            %get3A_137 = arith.index_cast %add3A_134 : i32 to index
            %get3A_138 = tpu.vector_load %arg4[%get3A_136, %get3A_137] {strides = array<i32>} : memref<1x20000xf32, #tpu.memory_space<vmem>>, vector<16xf32>,
            %gt3A = arith.constant 2.500000e-01 : f32
            %gt3A_139 = vector.broadcast %gt3A : f32 to vector<16xf32>
            %gt3A_140 = arith.cmpf ogt, %get3A_138, %gt3A_139 : vector<16xf32>
            %min3A_141 = arith.constant 300 : i32
            %min3A_142 = arith.minsi %scan3A_131, %min3A_141 : i32
            %mul3A_143 = arith.constant 16 : i32
            %mul3A_144 = arith.muli %scan3A_130, %mul3A_143 : i32
            %add3A_145 = arith.addi %mul3A_123, %mul3A_144 : i32
            %add3A_146 = vector.broadcast %add3A_145 : i32 to vector<16xi32>
            %add3A_147 = arith.addi %iota3A, %add3A_146 : vector<16xi32>
            %swap3A = arith.index_cast %min3A_142 : i32 to index
            %swap3A_148 = tpu.vector_load %arg5[%swap3A] masked %gt3A_140 {strides = array<i32>} : memref<320xi32, #tpu.memory_space<vmem>>, vector<16xi32>, vector<16xi1>
            tpu.vector_store %arg5[%swap3A], %add3A_147 masked %gt3A_140 {strides = array<i32>} : memref<320xi32, #tpu.memory_space<vmem>>, vector<16xi32>, vector<16xi1>
            %all_reduce_population_count3A = tpu.all_reduce %gt3A_140 {dim = 0 : i64, kind = #tpu.reduction_kind<sum>} : vector<16xi1> -> vector<16xi32>
            %slice3A_149 = vector.extract_strided_slice %all_reduce_population_count3A {offsets = [0], sizes = [1], strides = [1]} : vector<16xi32> to vector<1xi32>
            %squeeze3A_150 = vector.extract %slice3A_149[0] : i32 from vector<1xi32>
            %add3A_151 = arith.addi %scan3A_131, %squeeze3A_150 : i32
            scf.yield %add3A_151 : i32
          }
          %scan3A_129 = arith.constant 64 : i32
          scf.yield %scan3A_128 : i32
        } else {
          scf.yield %scan3A_115 : i32
        }
        scf.yield %cond3A_121 : i32
      }
      %scan3A_107 = arith.constant 15 : i32
      %lt3A_108 = arith.constant 300 : i32
      %lt3A_109 = arith.cmpi slt, %scan3A_106, %lt3A_108 : i32
      %convert_element_type3A_110 = arith.extui %lt3A_109 : i1 to i32
      %cond3A_111 = arith.constant 0 : i32
      %cond3A_112 = arith.cmpi ne, %convert_element_type3A_110, %cond3A_111 : i32
      %cond3A_113 = scf.if %cond3A_112 -> (i32) {
        %scan3A_114 = arith.constant 0 : i32
        %scan3A_115 = arith.constant 34 : i32
        %scan3A_116 = arith.addi %scan3A_114, %scan3A_115 : i32
        %scan3A_117 = arith.constant 1 : i32
        %scan3A_118 = scf.for %scan3A_120 = %scan3A_114 to %scan3A_116 step %scan3A_117 iter_args(%scan3A_121 = %scan3A_106) -> (i32)  : i32 {
          %mul3A_122 = arith.constant 16 : i32
          %mul3A_123 = arith.muli %scan3A_120, %mul3A_122 : i32
          %add3A_124 = arith.constant 19456 : i32
          %add3A_125 = arith.addi %add3A_124, %mul3A_123 : i32
          %get3A_126 = arith.constant 0 : i32
          %get3A_127 = arith.index_cast %get3A_126 : i32 to index
          %get3A_128 = arith.index_cast %add3A_125 : i32 to index
          %get3A_129 = tpu.vector_load %arg4[%get3A_127, %get3A_128] {strides = array<i32>} : memref<1x20000xf32, #tpu.memory_space<vmem>>, vector<16xf32>,
          %gt3A = arith.constant 2.500000e-01 : f32
          %gt3A_130 = vector.broadcast %gt3A : f32 to vector<16xf32>
          %gt3A_131 = arith.cmpf ogt, %get3A_129, %gt3A_130 : vector<16xf32>
          %min3A_132 = arith.constant 300 : i32
          %min3A_133 = arith.minsi %scan3A_121, %min3A_132 : i32
          %mul3A_134 = arith.constant 16 : i32
          %mul3A_135 = arith.muli %scan3A_120, %mul3A_134 : i32
          %add3A_136 = arith.constant 19456 : i32
          %add3A_137 = arith.addi %add3A_136, %mul3A_135 : i32
          %add3A_138 = vector.broadcast %add3A_137 : i32 to vector<16xi32>
          %add3A_139 = arith.addi %iota3A, %add3A_138 : vector<16xi32>
          %swap3A = arith.index_cast %min3A_133 : i32 to index
          %swap3A_140 = tpu.vector_load %arg5[%swap3A] masked %gt3A_131 {strides = array<i32>} : memref<320xi32, #tpu.memory_space<vmem>>, vector<16xi32>, vector<16xi1>
          tpu.vector_store %arg5[%swap3A], %add3A_139 masked %gt3A_131 {strides = array<i32>} : memref<320xi32, #tpu.memory_space<vmem>>, vector<16xi32>, vector<16xi1>
          %all_reduce_population_count3A = tpu.all_reduce %gt3A_131 {dim = 0 : i64, kind = #tpu.reduction_kind<sum>} : vector<16xi1> -> vector<16xi32>
          %slice3A_141 = vector.extract_strided_slice %all_reduce_population_count3A {offsets = [0], sizes = [1], strides = [1]} : vector<16xi32> to vector<1xi32>
          %squeeze3A_142 = vector.extract %slice3A_141[0] : i32 from vector<1xi32>
          %add3A_143 = arith.addi %scan3A_121, %squeeze3A_142 : i32
          scf.yield %add3A_143 : i32
        }
        %scan3A_119 = arith.constant 34 : i32
        scf.yield %scan3A_118 : i32
      } else {
        scf.yield %scan3A_106 : i32
      }
      scf.yield %cond3A_113 : i32
    } else {
      scf.yield %scan3A_47 : i32
    }
    %min3A = arith.constant 300 : i32
    %min3A_52 = arith.minsi %cond3A_51, %min3A : i32
    %sub3A_53 = arith.constant 1 : i32
    %sub3A_54 = arith.subi %min3A_52, %sub3A_53 : i32
    %max3A = arith.constant 0 : i32
    %max3A_55 = arith.maxsi %sub3A_54, %max3A : i32
    %get3A = arith.index_cast %max3A_55 : i32 to index
    %get3A_56 = tpu.vector_load %arg5[%get3A] {strides = array<i32>} : memref<320xi32, #tpu.memory_space<vmem>>, vector<16xi32>,
    %slice3A = vector.extract_strided_slice %get3A_56 {offsets = [0], sizes = [1], strides = [1]} : vector<16xi32> to vector<1xi32>
    %squeeze3A = vector.extract %slice3A[0] : i32 from vector<1xi32>
    %while3A_57 = arith.constant 0 : i32
    %while3A_58 = arith.constant 0 : i32
    %while3A_59 = arith.subi %sub3A_5, %while3A_58 : i32
    %while3A_60 = arith.addi %while3A_58, %while3A_59 : i32
    %while3A_61 = arith.constant 1 : i32
    %while3A_62 = arith.divsi %while3A_59, %while3A_61 : i32
    %while3A_63 = arith.muli %while3A_62, %while3A_61 : i32
    %while3A_64 = arith.addi %while3A_58, %while3A_63 : i32
    %while3A_65 = arith.constant 1 : i32
    scf.for %while3A_100 = %while3A_58 to %while3A_64 step %while3A_65  : i32 {
      %dma_wait3A_101 = arith.constant 0 : i32
      %dma_wait3A_102 = arith.constant 0 : i32
      %dma_wait3A_103 = tpu.memref_slice %arg6[%dma_wait3A_101, %dma_wait3A_102] : memref<43x1024xf32, #tpu.memory_space<vmem>> -> memref<1x1024xf32, #tpu.memory_space<vmem>>
      %dma_wait3A_104 = arith.constant 0 : i32
      %dma_wait3A_105 = arith.constant 0 : i32
      %dma_wait3A_106 = tpu.memref_slice %arg2[%dma_wait3A_104, %dma_wait3A_105] : memref<1360x20000xf32, #tpu.memory_space<hbm>> -> memref<1x1024xf32, #tpu.memory_space<hbm>>
      %dma_wait3A_107 = arith.constant 0 : i32
      %dma_wait3A_108 = arith.constant 0 : i32
      %dma_wait3A_109 = tpu.memref_slice %arg6[%dma_wait3A_107, %dma_wait3A_108] : memref<43x1024xf32, #tpu.memory_space<vmem>> -> memref<1x1024xf32, #tpu.memory_space<vmem>>
      %dma_wait3A_110 = arith.constant 0 : i32
      %dma_wait3A_111 = arith.constant 0 : i32
      %dma_wait3A_112 = tpu.memref_slice %arg2[%dma_wait3A_110, %dma_wait3A_111] : memref<1360x20000xf32, #tpu.memory_space<hbm>> -> memref<1x1024xf32, #tpu.memory_space<hbm>>
      tpu.wait_dma2 semaphore(%arg8 : memref<!tpu.dma_semaphore, #tpu.memory_space<semaphore_mem>>) src(%dma_wait3A_112 : memref<1x1024xf32, #tpu.memory_space<hbm>>) dst(%dma_wait3A_109 : memref<1x1024xf32, #tpu.memory_space<vmem>>)
    }
    %while3A_66 = arith.constant 1 : i32
    scf.for %while3A_100 = %while3A_64 to %while3A_60 step %while3A_66  : i32 {
      %dma_wait3A_101 = arith.constant 0 : i32
      %dma_wait3A_102 = arith.constant 0 : i32
      %dma_wait3A_103 = tpu.memref_slice %arg6[%dma_wait3A_101, %dma_wait3A_102] : memref<43x1024xf32, #tpu.memory_space<vmem>> -> memref<1x1024xf32, #tpu.memory_space<vmem>>
      %dma_wait3A_104 = arith.constant 0 : i32
      %dma_wait3A_105 = arith.constant 0 : i32
      %dma_wait3A_106 = tpu.memref_slice %arg2[%dma_wait3A_104, %dma_wait3A_105] : memref<1360x20000xf32, #tpu.memory_space<hbm>> -> memref<1x1024xf32, #tpu.memory_space<hbm>>
      %dma_wait3A_107 = arith.constant 0 : i32
      %dma_wait3A_108 = arith.constant 0 : i32
      %dma_wait3A_109 = tpu.memref_slice %arg6[%dma_wait3A_107, %dma_wait3A_108] : memref<43x1024xf32, #tpu.memory_space<vmem>> -> memref<1x1024xf32, #tpu.memory_space<vmem>>
      %dma_wait3A_110 = arith.constant 0 : i32
      %dma_wait3A_111 = arith.constant 0 : i32
      %dma_wait3A_112 = tpu.memref_slice %arg2[%dma_wait3A_110, %dma_wait3A_111] : memref<1360x20000xf32, #tpu.memory_space<hbm>> -> memref<1x1024xf32, #tpu.memory_space<hbm>>
      tpu.wait_dma2 semaphore(%arg8 : memref<!tpu.dma_semaphore, #tpu.memory_space<semaphore_mem>>) src(%dma_wait3A_112 : memref<1x1024xf32, #tpu.memory_space<hbm>>) dst(%dma_wait3A_109 : memref<1x1024xf32, #tpu.memory_space<vmem>>)
    }
    %broadcast_in_dim3A = arith.constant 0 : i32
    %broadcast_in_dim3A_67 = vector.broadcast %broadcast_in_dim3A : i32 to vector<16xi32>
    %broadcast_in_dim3A_68 = arith.constant 0.000000e+00 : f32
    %broadcast_in_dim3A_69 = vector.broadcast %broadcast_in_dim3A_68 : f32 to vector<16xf32>
    %scan3A_70 = arith.constant 0 : i32
    %scan3A_71 = arith.constant 0 : i32
    %scan3A_72 = arith.constant 19 : i32
    %scan3A_73 = arith.addi %scan3A_71, %scan3A_72 : i32
    %scan3A_74 = arith.constant 1 : i32
    scf.for %scan3A_100 = %scan3A_71 to %scan3A_73 step %scan3A_74  : i32 {
      %mul3A_101 = arith.constant 16 : i32
      %mul3A_102 = arith.muli %scan3A_100, %mul3A_101 : i32
      %get3A_103 = arith.index_cast %mul3A_102 : i32 to index
      %get3A_104 = tpu.vector_load %arg5[%get3A_103] {strides = array<i32>} : memref<320xi32, #tpu.memory_space<vmem>>, vector<16xi32>,
      %mul3A_105 = arith.constant 16 : i32
      %mul3A_106 = arith.muli %scan3A_100, %mul3A_105 : i32
      %add3A_107 = vector.broadcast %mul3A_106 : i32 to vector<16xi32>
      %add3A_108 = arith.addi %iota3A, %add3A_107 : vector<16xi32>
      %lt3A_109 = vector.broadcast %min3A_52 : i32 to vector<16xi32>
      %lt3A_110 = arith.cmpi slt, %add3A_108, %lt3A_109 : vector<16xi32>
      %lt3A_111 = arith.constant 1024 : i32
      %lt3A_112 = vector.broadcast %lt3A_111 : i32 to vector<16xi32>
      %lt3A_113 = arith.cmpi slt, %get3A_104, %lt3A_112 : vector<16xi32>
      %and3A_114 = arith.andi %lt3A_110, %lt3A_113 : vector<16xi1>
      %while3A_115 = arith.constant 0 : i32
      %while3A_116 = arith.constant 0 : i32
      %while3A_117 = arith.subi %sub3A_5, %while3A_116 : i32
      %while3A_118 = arith.addi %while3A_116, %while3A_117 : i32
      %while3A_119 = arith.constant 1 : i32
      %while3A_120 = arith.divsi %while3A_117, %while3A_119 : i32
      %while3A_121 = arith.muli %while3A_120, %while3A_119 : i32
      %while3A_122 = arith.addi %while3A_116, %while3A_121 : i32
      %while3A_123 = arith.constant 1 : i32
      scf.for %while3A_125 = %while3A_116 to %while3A_122 step %while3A_123  : i32 {
        %broadcast_in_dim3A_126 = vector.broadcast %while3A_125 : i32 to vector<16xi32>
        %gather3A = tpu.vector_load_idx %arg6[%broadcast_in_dim3A_126, %get3A_104] masked %and3A_114 : memref<43x1024xf32, #tpu.memory_space<vmem>>[vector<16xi32>, vector<16xi32>], vector<16xf32>, vector<16xi1>
        %select_n3A = arith.select %and3A_114, %gather3A, %broadcast_in_dim3A_69 : vector<16xi1>, vector<16xf32>
        %mul3A_127 = arith.constant 16 : i32
        %mul3A_128 = arith.muli %scan3A_100, %mul3A_127 : i32
        %swap3A = arith.index_cast %while3A_125 : i32 to index
        %swap3A_129 = arith.index_cast %mul3A_128 : i32 to index
        %swap3A_130 = tpu.vector_load %arg7[%swap3A, %swap3A_129] {strides = array<i32>} : memref<43x304xf32, #tpu.memory_space<vmem>>, vector<16xf32>,
        tpu.vector_store %arg7[%swap3A, %swap3A_129], %select_n3A {strides = array<i32>} : memref<43x304xf32, #tpu.memory_space<vmem>>, vector<16xf32>,
      }
      %while3A_124 = arith.constant 1 : i32
      scf.for %while3A_125 = %while3A_122 to %while3A_118 step %while3A_124  : i32 {
        %broadcast_in_dim3A_126 = vector.broadcast %while3A_125 : i32 to vector<16xi32>
        %gather3A = tpu.vector_load_idx %arg6[%broadcast_in_dim3A_126, %get3A_104] masked %and3A_114 : memref<43x1024xf32, #tpu.memory_space<vmem>>[vector<16xi32>, vector<16xi32>], vector<16xf32>, vector<16xi1>
        %select_n3A = arith.select %and3A_114, %gather3A, %broadcast_in_dim3A_69 : vector<16xi1>, vector<16xf32>
        %mul3A_127 = arith.constant 16 : i32
        %mul3A_128 = arith.muli %scan3A_100, %mul3A_127 : i32
        %swap3A = arith.index_cast %while3A_125 : i32 to index
        %swap3A_129 = arith.index_cast %mul3A_128 : i32 to index
        %swap3A_130 = tpu.vector_load %arg7[%swap3A, %swap3A_129] {strides = array<i32>} : memref<43x304xf32, #tpu.memory_space<vmem>>, vector<16xf32>,
        tpu.vector_store %arg7[%swap3A, %swap3A_129], %select_n3A {strides = array<i32>} : memref<43x304xf32, #tpu.memory_space<vmem>>, vector<16xf32>,
      }
    }
    %scan3A_75 = arith.constant 19 : i32
    %ge3A = arith.constant 1024 : i32
    %ge3A_76 = arith.cmpi sge, %squeeze3A, %ge3A : i32
    %convert_element_type3A_77 = arith.extui %ge3A_76 : i1 to i32
    %cond3A_78 = arith.constant 0 : i32
    %cond3A_79 = arith.cmpi ne, %convert_element_type3A_77, %cond3A_78 : i32
    scf.if %cond3A_79 {
      %while3A_100 = arith.constant 0 : i32
      %while3A_101 = arith.constant 0 : i32
      %while3A_102 = arith.subi %sub3A_5, %while3A_101 : i32
      %while3A_103 = arith.addi %while3A_101, %while3A_102 : i32
      %while3A_104 = arith.constant 1 : i32
      %while3A_105 = arith.divsi %while3A_102, %while3A_104 : i32
      %while3A_106 = arith.muli %while3A_105, %while3A_104 : i32
      %while3A_107 = arith.addi %while3A_101, %while3A_106 : i32
      %while3A_108 = arith.constant 1 : i32
      scf.for %while3A_110 = %while3A_101 to %while3A_107 step %while3A_108  : i32 {
        %add3A_111 = arith.addi %mul3A_4, %while3A_110 : i32
        %mul3A_112 = arith.constant 16 : i32
        %mul3A_113 = arith.muli %add3A_111, %mul3A_112 : i32
        %add3A_114 = arith.addi %mul3A_113, %shift_right_arithmetic3A_1 : i32
        %dma_start3A_115 = arith.constant 0 : i32
        %dma_start3A_116 = tpu.memref_slice %arg2[%add3A_114, %dma_start3A_115] : memref<1360x20000xf32, #tpu.memory_space<hbm>> -> memref<1x20000xf32, #tpu.memory_space<hbm>>
        %dma_start3A_117 = arith.constant 0 : i32
        %dma_start3A_118 = tpu.memref_slice %arg2[%add3A_114, %dma_start3A_117] : memref<1360x20000xf32, #tpu.memory_space<hbm>> -> memref<1x20000xf32, #tpu.memory_space<hbm>>
        tpu.enqueue_dma source(%dma_start3A_118 : memref<1x20000xf32, #tpu.memory_space<hbm>>) target(%arg4 : memref<1x20000xf32, #tpu.memory_space<vmem>>) target_semaphore(%arg9 : memref<!tpu.dma_semaphore, #tpu.memory_space<semaphore_mem>>)
        %dma_wait3A_119 = arith.constant 0 : i32
        %dma_wait3A_120 = tpu.memref_slice %arg2[%add3A_114, %dma_wait3A_119] : memref<1360x20000xf32, #tpu.memory_space<hbm>> -> memref<1x20000xf32, #tpu.memory_space<hbm>>
        %dma_wait3A_121 = arith.constant 0 : i32
        %dma_wait3A_122 = tpu.memref_slice %arg2[%add3A_114, %dma_wait3A_121] : memref<1360x20000xf32, #tpu.memory_space<hbm>> -> memref<1x20000xf32, #tpu.memory_space<hbm>>
        tpu.wait_dma2 semaphore(%arg9 : memref<!tpu.dma_semaphore, #tpu.memory_space<semaphore_mem>>) src(%dma_wait3A_122 : memref<1x20000xf32, #tpu.memory_space<hbm>>) dst(%arg4 : memref<1x20000xf32, #tpu.memory_space<vmem>>)
        %scan3A_123 = arith.constant 0 : i32
        %scan3A_124 = arith.constant 0 : i32
        %scan3A_125 = arith.constant 19 : i32
        %scan3A_126 = arith.addi %scan3A_124, %scan3A_125 : i32
        %scan3A_127 = arith.constant 1 : i32
        scf.for %scan3A_129 = %scan3A_124 to %scan3A_126 step %scan3A_127  : i32 {
          %mul3A_130 = arith.constant 16 : i32
          %mul3A_131 = arith.muli %scan3A_129, %mul3A_130 : i32
          %get3A_132 = arith.index_cast %mul3A_131 : i32 to index
          %get3A_133 = tpu.vector_load %arg5[%get3A_132] {strides = array<i32>} : memref<320xi32, #tpu.memory_space<vmem>>, vector<16xi32>,
          %mul3A_134 = arith.constant 16 : i32
          %mul3A_135 = arith.muli %scan3A_129, %mul3A_134 : i32
          %add3A_136 = vector.broadcast %mul3A_135 : i32 to vector<16xi32>
          %add3A_137 = arith.addi %iota3A, %add3A_136 : vector<16xi32>
          %lt3A_138 = vector.broadcast %min3A_52 : i32 to vector<16xi32>
          %lt3A_139 = arith.cmpi slt, %add3A_137, %lt3A_138 : vector<16xi32>
          %ge3A_140 = arith.constant 1024 : i32
          %ge3A_141 = vector.broadcast %ge3A_140 : i32 to vector<16xi32>
          %ge3A_142 = arith.cmpi sge, %get3A_133, %ge3A_141 : vector<16xi32>
          %and3A_143 = arith.andi %lt3A_139, %ge3A_142 : vector<16xi1>
          %gather3A = tpu.vector_load_idx %arg4[%broadcast_in_dim3A_67, %get3A_133] masked %and3A_143 : memref<1x20000xf32, #tpu.memory_space<vmem>>[vector<16xi32>, vector<16xi32>], vector<16xf32>, vector<16xi1>
          %mul3A_144 = arith.constant 16 : i32
          %mul3A_145 = arith.muli %scan3A_129, %mul3A_144 : i32
          %get3A_146 = arith.index_cast %while3A_110 : i32 to index
          %get3A_147 = arith.index_cast %mul3A_145 : i32 to index
          %get3A_148 = tpu.vector_load %arg7[%get3A_146, %get3A_147] {strides = array<i32>} : memref<43x304xf32, #tpu.memory_space<vmem>>, vector<16xf32>,
          %select_n3A = arith.select %and3A_143, %gather3A, %get3A_148 : vector<16xi1>, vector<16xf32>
          %mul3A_149 = arith.constant 16 : i32
          %mul3A_150 = arith.muli %scan3A_129, %mul3A_149 : i32
          %swap3A = arith.index_cast %while3A_110 : i32 to index
          %swap3A_151 = arith.index_cast %mul3A_150 : i32 to index
          %swap3A_152 = tpu.vector_load %arg7[%swap3A, %swap3A_151] {strides = array<i32>} : memref<43x304xf32, #tpu.memory_space<vmem>>, vector<16xf32>,
          tpu.vector_store %arg7[%swap3A, %swap3A_151], %select_n3A {strides = array<i32>} : memref<43x304xf32, #tpu.memory_space<vmem>>, vector<16xf32>,
        }
        %scan3A_128 = arith.constant 19 : i32
      }
      %while3A_109 = arith.constant 1 : i32
      scf.for %while3A_110 = %while3A_107 to %while3A_103 step %while3A_109  : i32 {
        %add3A_111 = arith.addi %mul3A_4, %while3A_110 : i32
        %mul3A_112 = arith.constant 16 : i32
        %mul3A_113 = arith.muli %add3A_111, %mul3A_112 : i32
        %add3A_114 = arith.addi %mul3A_113, %shift_right_arithmetic3A_1 : i32
        %dma_start3A_115 = arith.constant 0 : i32
        %dma_start3A_116 = tpu.memref_slice %arg2[%add3A_114, %dma_start3A_115] : memref<1360x20000xf32, #tpu.memory_space<hbm>> -> memref<1x20000xf32, #tpu.memory_space<hbm>>
        %dma_start3A_117 = arith.constant 0 : i32
        %dma_start3A_118 = tpu.memref_slice %arg2[%add3A_114, %dma_start3A_117] : memref<1360x20000xf32, #tpu.memory_space<hbm>> -> memref<1x20000xf32, #tpu.memory_space<hbm>>
        tpu.enqueue_dma source(%dma_start3A_118 : memref<1x20000xf32, #tpu.memory_space<hbm>>) target(%arg4 : memref<1x20000xf32, #tpu.memory_space<vmem>>) target_semaphore(%arg9 : memref<!tpu.dma_semaphore, #tpu.memory_space<semaphore_mem>>)
        %dma_wait3A_119 = arith.constant 0 : i32
        %dma_wait3A_120 = tpu.memref_slice %arg2[%add3A_114, %dma_wait3A_119] : memref<1360x20000xf32, #tpu.memory_space<hbm>> -> memref<1x20000xf32, #tpu.memory_space<hbm>>
        %dma_wait3A_121 = arith.constant 0 : i32
        %dma_wait3A_122 = tpu.memref_slice %arg2[%add3A_114, %dma_wait3A_121] : memref<1360x20000xf32, #tpu.memory_space<hbm>> -> memref<1x20000xf32, #tpu.memory_space<hbm>>
        tpu.wait_dma2 semaphore(%arg9 : memref<!tpu.dma_semaphore, #tpu.memory_space<semaphore_mem>>) src(%dma_wait3A_122 : memref<1x20000xf32, #tpu.memory_space<hbm>>) dst(%arg4 : memref<1x20000xf32, #tpu.memory_space<vmem>>)
        %scan3A_123 = arith.constant 0 : i32
        %scan3A_124 = arith.constant 0 : i32
        %scan3A_125 = arith.constant 19 : i32
        %scan3A_126 = arith.addi %scan3A_124, %scan3A_125 : i32
        %scan3A_127 = arith.constant 1 : i32
        scf.for %scan3A_129 = %scan3A_124 to %scan3A_126 step %scan3A_127  : i32 {
          %mul3A_130 = arith.constant 16 : i32
          %mul3A_131 = arith.muli %scan3A_129, %mul3A_130 : i32
          %get3A_132 = arith.index_cast %mul3A_131 : i32 to index
          %get3A_133 = tpu.vector_load %arg5[%get3A_132] {strides = array<i32>} : memref<320xi32, #tpu.memory_space<vmem>>, vector<16xi32>,
          %mul3A_134 = arith.constant 16 : i32
          %mul3A_135 = arith.muli %scan3A_129, %mul3A_134 : i32
          %add3A_136 = vector.broadcast %mul3A_135 : i32 to vector<16xi32>
          %add3A_137 = arith.addi %iota3A, %add3A_136 : vector<16xi32>
          %lt3A_138 = vector.broadcast %min3A_52 : i32 to vector<16xi32>
          %lt3A_139 = arith.cmpi slt, %add3A_137, %lt3A_138 : vector<16xi32>
          %ge3A_140 = arith.constant 1024 : i32
          %ge3A_141 = vector.broadcast %ge3A_140 : i32 to vector<16xi32>
          %ge3A_142 = arith.cmpi sge, %get3A_133, %ge3A_141 : vector<16xi32>
          %and3A_143 = arith.andi %lt3A_139, %ge3A_142 : vector<16xi1>
          %gather3A = tpu.vector_load_idx %arg4[%broadcast_in_dim3A_67, %get3A_133] masked %and3A_143 : memref<1x20000xf32, #tpu.memory_space<vmem>>[vector<16xi32>, vector<16xi32>], vector<16xf32>, vector<16xi1>
          %mul3A_144 = arith.constant 16 : i32
          %mul3A_145 = arith.muli %scan3A_129, %mul3A_144 : i32
          %get3A_146 = arith.index_cast %while3A_110 : i32 to index
          %get3A_147 = arith.index_cast %mul3A_145 : i32 to index
          %get3A_148 = tpu.vector_load %arg7[%get3A_146, %get3A_147] {strides = array<i32>} : memref<43x304xf32, #tpu.memory_space<vmem>>, vector<16xf32>,
          %select_n3A = arith.select %and3A_143, %gather3A, %get3A_148 : vector<16xi1>, vector<16xf32>
          %mul3A_149 = arith.constant 16 : i32
          %mul3A_150 = arith.muli %scan3A_129, %mul3A_149 : i32
          %swap3A = arith.index_cast %while3A_110 : i32 to index
          %swap3A_151 = arith.index_cast %mul3A_150 : i32 to index
          %swap3A_152 = tpu.vector_load %arg7[%swap3A, %swap3A_151] {strides = array<i32>} : memref<43x304xf32, #tpu.memory_space<vmem>>, vector<16xf32>,
          tpu.vector_store %arg7[%swap3A, %swap3A_151], %select_n3A {strides = array<i32>} : memref<43x304xf32, #tpu.memory_space<vmem>>, vector<16xf32>,
        }
        %scan3A_128 = arith.constant 19 : i32
      }
    } else {
    }
    %while3A_80 = arith.constant 0 : i32
    %while3A_81 = arith.constant 0 : i32
    %while3A_82 = arith.subi %sub3A_5, %while3A_81 : i32
    %while3A_83 = arith.addi %while3A_81, %while3A_82 : i32
    %while3A_84 = arith.constant 1 : i32
    %while3A_85 = arith.divsi %while3A_82, %while3A_84 : i32
    %while3A_86 = arith.muli %while3A_85, %while3A_84 : i32
    %while3A_87 = arith.addi %while3A_81, %while3A_86 : i32
    %while3A_88 = arith.constant 1 : i32
    scf.for %while3A_100 = %while3A_81 to %while3A_87 step %while3A_88  : i32 {
      %add3A_101 = arith.addi %mul3A_4, %while3A_100 : i32
      %mul3A_102 = arith.constant 16 : i32
      %mul3A_103 = arith.muli %add3A_101, %mul3A_102 : i32
      %add3A_104 = arith.addi %mul3A_103, %shift_right_arithmetic3A_1 : i32
      %dma_start3A_105 = arith.constant 0 : i32
      %dma_start3A_106 = tpu.memref_slice %arg7[%while3A_100, %dma_start3A_105] : memref<43x304xf32, #tpu.memory_space<vmem>> -> memref<1x304xf32, #tpu.memory_space<vmem>>
      %dma_start3A_107 = arith.constant 0 : i32
      %dma_start3A_108 = tpu.memref_slice %arg3[%add3A_104, %dma_start3A_107] : memref<1360x304xf32, #tpu.memory_space<hbm>> -> memref<1x304xf32, #tpu.memory_space<hbm>>
      %dma_start3A_109 = arith.constant 0 : i32
      %dma_start3A_110 = tpu.memref_slice %arg3[%add3A_104, %dma_start3A_109] : memref<1360x304xf32, #tpu.memory_space<hbm>> -> memref<1x304xf32, #tpu.memory_space<hbm>>
      %dma_start3A_111 = arith.constant 0 : i32
      %dma_start3A_112 = tpu.memref_slice %arg7[%while3A_100, %dma_start3A_111] : memref<43x304xf32, #tpu.memory_space<vmem>> -> memref<1x304xf32, #tpu.memory_space<vmem>>
      tpu.enqueue_dma source(%dma_start3A_112 : memref<1x304xf32, #tpu.memory_space<vmem>>) target(%dma_start3A_110 : memref<1x304xf32, #tpu.memory_space<hbm>>) target_semaphore(%arg10 : memref<!tpu.dma_semaphore, #tpu.memory_space<semaphore_mem>>)
    }
    %while3A_89 = arith.constant 1 : i32
    scf.for %while3A_100 = %while3A_87 to %while3A_83 step %while3A_89  : i32 {
      %add3A_101 = arith.addi %mul3A_4, %while3A_100 : i32
      %mul3A_102 = arith.constant 16 : i32
      %mul3A_103 = arith.muli %add3A_101, %mul3A_102 : i32
      %add3A_104 = arith.addi %mul3A_103, %shift_right_arithmetic3A_1 : i32
      %dma_start3A_105 = arith.constant 0 : i32
      %dma_start3A_106 = tpu.memref_slice %arg7[%while3A_100, %dma_start3A_105] : memref<43x304xf32, #tpu.memory_space<vmem>> -> memref<1x304xf32, #tpu.memory_space<vmem>>
      %dma_start3A_107 = arith.constant 0 : i32
      %dma_start3A_108 = tpu.memref_slice %arg3[%add3A_104, %dma_start3A_107] : memref<1360x304xf32, #tpu.memory_space<hbm>> -> memref<1x304xf32, #tpu.memory_space<hbm>>
      %dma_start3A_109 = arith.constant 0 : i32
      %dma_start3A_110 = tpu.memref_slice %arg3[%add3A_104, %dma_start3A_109] : memref<1360x304xf32, #tpu.memory_space<hbm>> -> memref<1x304xf32, #tpu.memory_space<hbm>>
      %dma_start3A_111 = arith.constant 0 : i32
      %dma_start3A_112 = tpu.memref_slice %arg7[%while3A_100, %dma_start3A_111] : memref<43x304xf32, #tpu.memory_space<vmem>> -> memref<1x304xf32, #tpu.memory_space<vmem>>
      tpu.enqueue_dma source(%dma_start3A_112 : memref<1x304xf32, #tpu.memory_space<vmem>>) target(%dma_start3A_110 : memref<1x304xf32, #tpu.memory_space<hbm>>) target_semaphore(%arg10 : memref<!tpu.dma_semaphore, #tpu.memory_space<semaphore_mem>>)
    }
    %while3A_90 = arith.constant 0 : i32
    %while3A_91 = arith.constant 0 : i32
    %while3A_92 = arith.subi %sub3A_5, %while3A_91 : i32
    %while3A_93 = arith.addi %while3A_91, %while3A_92 : i32
    %while3A_94 = arith.constant 1 : i32
    %while3A_95 = arith.divsi %while3A_92, %while3A_94 : i32
    %while3A_96 = arith.muli %while3A_95, %while3A_94 : i32
    %while3A_97 = arith.addi %while3A_91, %while3A_96 : i32
    %while3A_98 = arith.constant 1 : i32
    scf.for %while3A_100 = %while3A_91 to %while3A_97 step %while3A_98  : i32 {
      %dma_wait3A_101 = arith.constant 0 : i32
      %dma_wait3A_102 = arith.constant 0 : i32
      %dma_wait3A_103 = tpu.memref_slice %arg7[%dma_wait3A_101, %dma_wait3A_102] : memref<43x304xf32, #tpu.memory_space<vmem>> -> memref<1x304xf32, #tpu.memory_space<vmem>>
      %dma_wait3A_104 = arith.constant 0 : i32
      %dma_wait3A_105 = arith.constant 0 : i32
      %dma_wait3A_106 = tpu.memref_slice %arg3[%dma_wait3A_104, %dma_wait3A_105] : memref<1360x304xf32, #tpu.memory_space<hbm>> -> memref<1x304xf32, #tpu.memory_space<hbm>>
      %dma_wait3A_107 = arith.constant 0 : i32
      %dma_wait3A_108 = arith.constant 0 : i32
      %dma_wait3A_109 = tpu.memref_slice %arg7[%dma_wait3A_107, %dma_wait3A_108] : memref<43x304xf32, #tpu.memory_space<vmem>> -> memref<1x304xf32, #tpu.memory_space<vmem>>
      %dma_wait3A_110 = arith.constant 0 : i32
      %dma_wait3A_111 = arith.constant 0 : i32
      %dma_wait3A_112 = tpu.memref_slice %arg3[%dma_wait3A_110, %dma_wait3A_111] : memref<1360x304xf32, #tpu.memory_space<hbm>> -> memref<1x304xf32, #tpu.memory_space<hbm>>
      tpu.wait_dma2 semaphore(%arg10 : memref<!tpu.dma_semaphore, #tpu.memory_space<semaphore_mem>>) src(%dma_wait3A_112 : memref<1x304xf32, #tpu.memory_space<hbm>>) dst(%dma_wait3A_109 : memref<1x304xf32, #tpu.memory_space<vmem>>)
    }
    %while3A_99 = arith.constant 1 : i32
    scf.for %while3A_100 = %while3A_97 to %while3A_93 step %while3A_99  : i32 {
      %dma_wait3A_101 = arith.constant 0 : i32
      %dma_wait3A_102 = arith.constant 0 : i32
      %dma_wait3A_103 = tpu.memref_slice %arg7[%dma_wait3A_101, %dma_wait3A_102] : memref<43x304xf32, #tpu.memory_space<vmem>> -> memref<1x304xf32, #tpu.memory_space<vmem>>
      %dma_wait3A_104 = arith.constant 0 : i32
      %dma_wait3A_105 = arith.constant 0 : i32
      %dma_wait3A_106 = tpu.memref_slice %arg3[%dma_wait3A_104, %dma_wait3A_105] : memref<1360x304xf32, #tpu.memory_space<hbm>> -> memref<1x304xf32, #tpu.memory_space<hbm>>
      %dma_wait3A_107 = arith.constant 0 : i32
      %dma_wait3A_108 = arith.constant 0 : i32
      %dma_wait3A_109 = tpu.memref_slice %arg7[%dma_wait3A_107, %dma_wait3A_108] : memref<43x304xf32, #tpu.memory_space<vmem>> -> memref<1x304xf32, #tpu.memory_space<vmem>>
      %dma_wait3A_110 = arith.constant 0 : i32
      %dma_wait3A_111 = arith.constant 0 : i32
      %dma_wait3A_112 = tpu.memref_slice %arg3[%dma_wait3A_110, %dma_wait3A_111] : memref<1360x304xf32, #tpu.memory_space<hbm>> -> memref<1x304xf32, #tpu.memory_space<hbm>>
      tpu.wait_dma2 semaphore(%arg10 : memref<!tpu.dma_semaphore, #tpu.memory_space<semaphore_mem>>) src(%dma_wait3A_112 : memref<1x304xf32, #tpu.memory_space<hbm>>) dst(%dma_wait3A_109 : memref<1x304xf32, #tpu.memory_space<vmem>>)
    }
    return
  }
}

</mosaic_0001>

<sc_bundles>
// kernel: kernel.3.cloned.1.call-start
scs
__scs_entry_jumppad:
0x0: {  	(pc) =	sbr.rel $0x88, $3  }
0x1: {  	(tag) =	ssettag $0x0;
	lr =	simm.s32 $0x1  }
0x2: {  	[smem:$0x3FA0] =	sst lr;
	_ =	strace $0xD0000000  }
0x3: {  	_ = 	snop  }
0x4: {  	_ = 	snop  }
0x5: {  	_ = 	snop  }
0x6: {  	_ = 	snop  }
0x7: {  	_ = 	snop  }
__scs_overlays_trampoline_lowered:
0x8: {  	[smem:$0x3FAF] =	sst s0  }
0x9: {  	[smem:$0x3FB0] =	sst s1  }
0xa: {  	[smem:$0x3FB1] =	sst s2  }
0xb: {  	[smem:$0x3FB2] =	sst s3  }
0xc: {  	[smem:$0x3FB3] =	sst s4  }
0xd: {  	[smem:$0x3FB4] =	sst s5  }
0xe: {  	[smem:$0x3FB5] =	sst s6  }
0xf: {  	[smem:$0x3FB6] =	sst s7  }
0x10: {  	[smem:$0x3FB7] =	sst s8  }
0x11: {  	[smem:$0x3FB8] =	sst s9;
	s0 =	simm.s32 @!p0 $0x0  }
0x12: {  	s1 =	sld [smem:$0x3F9E];
	s0 =	simm.s32 @p0 $0x1  }
0x13: {  	[smem:$0x3FB9] =	sst s0;
	s0 =	simm.s32 @!p1 $0x0  }
0x14: {  	s2 =	sld [smem:$0x3F9D];
	s0 =	simm.s32 @p1 $0x1  }
0x15: {  	[smem:$0x3FBA] =	sst s0;
	s0 =	simm.s32 @!p2 $0x0  }
0x16: {  	s3 =	sld [smem:$0x3FDB];
	s0 =	simm.s32 @p2 $0x1  }
0x17: {  	s4 =	simm.s32 $0x1BF5;
	[smem:$0x3FBC] =	sst s0  }
0x18: {  	s0 =	sld [smem:$0x3F9F];
	_ =	swait.ge [sflag:s4], $0x0  }
0x19: {  	s7 =	sld [smem:$0x3FA0]  }
0x1a: {  	s8 =	sadd.s32 $0xFFFFE003, lr  }
0x1b: {  	s9 =	sadd.s32 $0xFFFFFEF7, lr;
	s5 =	simm.s32 $0xFFFFFFFF;
	p2 =	slt.u32 s8, $0xFFFFF086  }
0x1c: {  	p1 =	slt.u32 s9, $0xF7A;
	s5 =	simm.s32 @!p2 $0x0  }
0x1d: {  	s5 =	simm.s32 @p1 $0x1;
	p0 =	seq.s32 s7, s2  }
0x1e: {  	s7 =	smul.u32 @!p0 $0xF7A, s2;
	p2 =	seq.s32 @!p0 s5, $0x0  }
0x1f: {  	s9 =	smul.u32 $0xF7A, s1;
	s8 =	simm.s32 @!p0 $0x1BF5;
	p2 =	por !p2, p0  }
0x20: {  	[sflag:s8] =	ssyncset.s32 @!p0 $0xFFFFF086;
	s6 =	sadd.s32 @!p0 s3, s7;
	s7 =	simm.s32 @!p0 $0x108  }
0x21: {  	s3 =	sadd.s32 s3, s9;
	s6 =	sadd.s32 @!p0 $0x88, s6;
	s7 =	simm.s32 @p2 $0x1082  }
0x22: {  	[simem:s7], [sflag:s8] =	dma.local @!p0 [hbm:s6], $0xF7A  }
0x23: {  	s9 =	sor.u32 $0xD0000000, s2;
	s6 =	simm.s32 $0x108;
	_ =	swait.ge @!p0 [sflag:s8], $0x0  }
0x24: {  	s3 =	sadd.s32 $0x88, s3;
	s6 =	simm.s32 @!p1 $0x1082;
	[sflag:s4] =	ssyncset.s32 $0xFFFFF086  }
0x25: {  	[simem:s6], [sflag:s4] =	dma.local [hbm:s3], $0xF7A  }
0x26: {  	[smem:$0x3FA0] =	sst s1;
	(tag) =	ssettag s2;
	_ =	strace s9  }
0x27: {  	s1 =	sld [smem:$0x3FB0]  }
0x28: {  	s2 =	sld [smem:$0x3FB1]  }
0x29: {  	s4 =	sld [smem:$0x3FB3]  }
0x2a: {  	p0 =	seq.s32 s5, $0x0;
	s5 =	sld [smem:$0x3FB4]  }
0x2b: {  	s6 =	sld [smem:$0x3FB5]  }
0x2c: {  	s7 =	sld [smem:$0x3FB6]  }
0x2d: {  	s3 =	simm.s32 $0x108;
	s8 =	sld [smem:$0x3FB7]  }
0x2e: {  	s3 =	simm.s32 @!p0 $0x1082;
	s9 =	sld [smem:$0x3FB8]  }
0x2f: {  	lr =	sadd.s32 s0, s3;
	s0 =	sld [smem:$0x3FAF]  }
0x30: {  	s3 =	sld [smem:$0x3FB2]  }
0x31: {  	[smem:$0x3FBB] =	sst s10  }
0x32: {  	s10 =	sld [smem:$0x3FB9];
	_ =	sdelay $0x3  }
0x33: {  	p0 =	seq.s32 s10, $0x1;
	s10 =	sld [smem:$0x3FBB];
	_ =	sdelay $0x3  }
0x34: {  	[smem:$0x3FBB] =	sst s10  }
0x35: {  	s10 =	sld [smem:$0x3FBA];
	_ =	sdelay $0x3  }
0x36: {  	p1 =	seq.s32 s10, $0x1;
	s10 =	sld [smem:$0x3FBB];
	_ =	sdelay $0x3  }
0x37: {  	[smem:$0x3FBB] =	sst s10  }
0x38: {  	s10 =	sld [smem:$0x3FBC]  }
0x39: {  	_ = 	snop;
	(pc) =	sbr.ind lr, $3  }
0x3a: {  	_ = 	snop  }
0x3b: {  	_ = 	snop  }
0x3c: {  	p2 =	seq.s32 s10, $0x1;
	s10 =	sld [smem:$0x3FBB]  }
0x3d: {  	_ =	shalt  }
0x3e: {  	_ =	shalt  }
0x3f: {  	_ =	shalt  }
0x40: {  	_ =	shalt  }
0x41: {  	_ =	shalt  }
0x42: {  	_ =	shalt  }
0x43: {  	_ =	shalt  }
0x44: {  	_ =	shalt  }
0x45: {  	_ =	shalt  }
0x46: {  	_ =	shalt  }
0x47: {  	_ =	shalt  }
0x48: {  	_ =	shalt  }
0x49: {  	_ =	shalt  }
0x4a: {  	_ =	shalt  }
0x4b: {  	_ =	shalt  }
0x4c: {  	_ =	shalt  }
0x4d: {  	_ =	shalt  }
0x4e: {  	_ =	shalt  }
0x4f: {  	_ =	shalt  }
0x50: {  	_ =	shalt  }
0x51: {  	_ =	shalt  }
0x52: {  	_ =	shalt  }
0x53: {  	_ =	shalt  }
0x54: {  	_ =	shalt  }
0x55: {  	_ =	shalt  }
0x56: {  	_ =	shalt  }
0x57: {  	_ =	shalt  }
0x58: {  	_ =	shalt  }
0x59: {  	_ =	shalt  }
0x5a: {  	_ =	shalt  }
0x5b: {  	_ =	shalt  }
0x5c: {  	_ =	shalt  }
0x5d: {  	_ =	shalt  }
0x5e: {  	_ =	shalt  }
0x5f: {  	_ =	shalt  }
0x60: {  	_ =	shalt  }
0x61: {  	_ =	shalt  }
0x62: {  	_ =	shalt  }
0x63: {  	_ =	shalt  }
0x64: {  	_ =	shalt  }
0x65: {  	_ =	shalt  }
0x66: {  	_ =	shalt  }
0x67: {  	_ =	shalt  }
0x68: {  	_ =	shalt  }
0x69: {  	_ =	shalt  }
0x6a: {  	_ =	shalt  }
0x6b: {  	_ =	shalt  }
0x6c: {  	_ =	shalt  }
0x6d: {  	_ =	shalt  }
0x6e: {  	_ =	shalt  }
0x6f: {  	_ =	shalt  }
0x70: {  	_ =	shalt  }
0x71: {  	_ =	shalt  }
0x72: {  	_ =	shalt  }
0x73: {  	_ =	shalt  }
0x74: {  	_ =	shalt  }
0x75: {  	_ =	shalt  }
0x76: {  	_ =	shalt  }
0x77: {  	_ =	shalt  }
0x78: {  	_ =	shalt  }
0x79: {  	_ =	shalt  }
0x7a: {  	_ =	shalt  }
0x7b: {  	_ =	shalt  }
0x7c: {  	_ =	shalt  }
0x7d: {  	_ =	shalt  }
0x7e: {  	_ =	shalt  }
0x7f: {  	_ =	shalt  }
0x80: {  	_ =	shalt  }
0x81: {  	_ =	shalt  }
0x82: {  	_ =	shalt  }
0x83: {  	_ =	shalt  }
0x84: {  	_ =	shalt  }
0x85: {  	_ =	shalt  }
0x86: {  	_ =	shalt  }
0x87: {  	_ =	shalt  }
.Lfunc_end0:
.L_simem_size_0:
called_computation_lowered:
.L_overlay_start_0:
0x88: {  	s2 =	sld [smem:$0x3FD9]  }
0x89: {  	s3 =	sld [smem:$0x3FFE];
	_ =	sdelay $0x1  }
0x8a: {  	s1 =	srdreg.scid  }
0x8b: {  	s0 =	sand.u32 $0x1, s1  }
0x8c: {  	s18 =	sshll.u32 s0, $0xA;
	s2 =	sadd.s32 s3, s2  }
0x8d: {  	s2 =	sadd.s32 s2, s18  }
0x8e: {  	[smem:$0x3FC7] =	sst s2  }
0x8f: {  	_ = 	snop  }
0x90: {  	s2 =	sld [smem:$0x3FC9]  }
0x91: {  	s19 =	sld [smem:$0x3FD0];
	(tm) =	ssettm $0x1  }
0x92: {  	s4 =	sld [smem:$0x3FFB];
	_ =	sdelay $0x3  }
0x93: {  	_ =	strace s4  }
0x94: {  	s4 =	sld [smem:$0x3FFC];
	_ =	sdelay $0x3  }
0x95: {  	_ =	strace s4  }
0x96: {  	s4 =	sld [smem:$0x3FFD];
	_ =	sdelay $0x3  }
0x97: {  	_ =	strace s4  }
0x98: {  	_ =	strace $0x8FFFFFFF  }
0x99: {  	s20 =	sld [smem:$0x3FDB];
	_ =	sdelay $0x1  }
0x9a: {  	s5 =	simm.s32 $_scs_section_size  }
0x9b: {  	s6 =	simm.s32 $_size__tile_overlayer_lowered;
	s7 =	simm.s32 $_tile_overlayer_lowered  }
0x9c: {  	s23 =	simm.s32 $0x1BFF;
	s22 =	sshll.u32 s7, $0x1;
	s4 =	sadd.s32 s5, s20  }
0x9d: {  	s8 =	simm.s32 $0x0;
	s21 =	sshll.u32 s6, $0x1;
	s6 =	sadd.s32 s22, s4  }
0x9e: {  	[timem:s8], [sflag:s23] =	dma.local [hbm:s6], s21  }
0x9f: {  	_ =	swait.ge [sflag:s23], s21  }
0xa0: {  	s5 =	ssub.s32 $0x0, s21;
	[sflag:s23] =	ssyncset.done $0x0  }
0xa1: {  	[sflag:s23] =	ssyncadd.s32 s5;
	_ =	sdelay $0x1  }
0xa2: {  	s24 =	simm.s32 $0x1B8B  }
0xa3: {  	_ =	swait.ge [sflag:s24], $0x1  }
0xa4: {  	[sflag:s24] =	ssyncset.done $0x0  }
0xa5: {  	s25 =	simm.s32 $0x1B8E;
	[sflag:s24] =	ssyncadd.s32 $0xFFFFFFFF  }
0xa6: {  	s26 =	simm.s32 $execute0_lowered;
	[smem:$0x3FD2] =	sst s25  }
0xa7: {  	s5 =	sshll.u32 s26, $0x1;
	_ =	strace $0x80000046;
	[dreg:$0x1] =	wrdreg $0xFFFFFFFF  }
0xa8: {  	s28 =	simm.s32 $_size_execute0_lowered;
	s4 =	sadd.s32 s4, s5;
	[dreg:$0x0] =	wrdreg $0x0  }
0xa9: {  	s5 =	sshll.u32 s28, $0x1;
	[dreg:$0x2] =	wrdreg s4  }
0xaa: {  	[dreg:$0x3] =	wrdreg s5  }
0xab: {  	[dreg:$0x4] =	wrdreg $0xC0  }
0xac: {  	_ =	task [dreg:s8], $0x5FFFF  }
0xad: {  	[dreg:$0x1] =	wrdreg $0xFFFFFFFF  }
0xae: {  	[dreg:$0x0] =	wrdreg $0x60  }
0xaf: {  	[dreg:$0x2] =	wrdreg s2  }
0xb0: {  	[dreg:$0x3] =	wrdreg s19  }
0xb1: {  	[dreg:$0x4] =	wrdreg $0x9  }
0xb2: {  	_ =	task.clear_ibuf [dreg:s8], $0x5FFFF;
	_ =	strace $0x90000046  }
0xb3: {  	s29 =	simm.s32 $0x9;
	_ =	strace $0x80000048  }
0xb4: {  	_ =	swait.ge [sflag:s29], $0x1  }
0xb5: {  	[sflag:s29] =	ssyncadd.s32 $0xFFFFFFFF  }
0xb6: {  	_ =	strace $0x90000048  }
0xb7: {  	_ =	sfence  }
0xb8: {  	s30 =	sld [smem:$0x0];
	_ =	sdelay $0x2  }
0xb9: {  	s31 =	sshll.u32 s1, $0xD;
	s1 =	sshrl.u32 s1, $0x2  }
0xba: {  	s3 =	sand.u32 $0x4000, s31;
	s1 =	sadd.s32 s1, s30  }
0xbb: {  	s0 =	sor.u32 s3, s0;
	s1 =	sshll.u32 s1, $0x11  }
0xbc: {  	s0 =	sor.u32 s1, s0  }
0xbd: {  	s0 =	sadd.s32 $0x8F2B, s0  }
0xbe: {  	[sflag:s0] =	ssyncadd.remote.s32 $0x1  }
0xbf: {  	_ =	sfence.sel $0xFFFF  }
0xc0: {  	[dreg:$0x0] =	wrdreg $0xFFFFFFFF;
	(pc) =	sbr.abs _section_cstart, $3  }
0xc1: {  	[dreg:$0x1] =	wrdreg $0xFFFFFFFF  }
0xc2: {  	_ =	task.clear_ibuf [dreg:s8], $0x2FFFF;
	_ =	strace $0x9FFFFFFF  }
0xc3: {  	(tm) =	ssettm $0x7FFFFFFF  }
tec
execute0_lowered:
.L_overlay_start_1:
0x0: {  	(tag) =	ssettag $0x1  }
0x1: {  	s1 =	rddreg [dreg:$0x0]  }
0x2: {  	s11 =	rddreg [dreg:$0x1]  }
0x3: {  	s0 =	rddreg [dreg:$0x2];
	s4 =	srdreg.scid  }
0x4: {  	s3 =	simm.s32 $0x0;
	s2 =	stileid.u32;
	s14 =	simm.s32 $0x2  }
0x5: {  	s15 =	simm.s32 $0x1;
	s16 =	simm.s32 $0x5000;
	s17 =	simm.s32 $0x3  }
0x6: {  	s18 =	simm.s32 $0x0;
	s9 =	sand.u32 $0x1, s4;
	[smem:$0x7FF] =	sst s3  }
0x7: {  	s26 =	sshrl.u32 s2, $0x3;
	s28 =	sshll.u32 s2, $0x7;
	s5 =	smul.u32 $0x2B0, s9  }
0x8: {  	_ =	strace $0x80000047;
	s6 =	smul.u32 $0x27400, s26;
	s7 =	ssub.s32 $0x2, s9  }
0x9: {  	s4 =	sand.u32 $0x380, s28;
	s10 =	sshrl.u32 s7, $0x1;
	s8 =	sor.u32 s5, s2  }
0xa: {  	s5 =	smul.u32 $0x2B, s9;
	s6 =	sor.u32 s4, s6;
	s8 =	sshrl.u32 s8, $0x3  }
0xb: {  	s10 =	ssub.s32 s7, s10;
	s6 =	sadd.s32 $0x13A000, s6;
	s12 =	smul.u32 $0x27400, s8  }
0xc: {  	s29 =	sshrl.u32 s6, $0x3;
	s13 =	smul.u32 $0xC00, s8;
	s6 =	sxor.u32 $0x2B, s9  }
0xd: {  	s8 =	smax.u32 s10, $0x1;
	s9 =	sshll.u32 s9, $0xA;
	s7 =	sadd.s32 s1, s29  }
0xe: {  	s9 =	sadd.s32 $0xFFFF5400, s9;
	s30 =	sor.u32 s4, s12;
	s31 =	sor.u32 s4, s13  }
0xf: {  	s13 =	simm.s32 $0x400;
	s10 =	sshrl.u32 s30, $0x3;
	s12 =	sshrl.u32 s31, $0x3  }
0x10: {  	v0 =	vimm.s32 $0x0;
	v1 =	vlaneseq.u32;
	s10 =	sadd.s32 s10, s1;
	s11 =	sadd.s32 s12, s11;
	s12 =	simm.s32 $0x80  }
.LBB2_1:
0x11: {  	[tilespmem:s3], [sflag:$0x2] =	stream.strided.gather [hbm4b:s7+s12], $0x1000, s13, s12, $0x38;
	[tilespmem:$0x15800] =	vst v63  }
0x12: {  	s19 =	smov.u32 s10;
	s20 =	simm.s32 $0x0;
	s21 =	simm.s32 $0x0  }
.LBB2_2:
0x13: {  	s22 =	sand.u32 $0x380, s20;
	s23 =	sand.u32 $0xFFFFE000, s21  }
0x14: {  	s22 =	sor.u32 s22, s23  }
0x15: {  	s23 =	sadd.s32 $0x5000, s22  }
0x16: {  	[tilespmem:s23], [sflag:$0x1] =	stream.linear.gather [hbm4b:s19+s3], $0x80, $0x38;
	[tilespmem:$0x15800] =	vst v63  }
0x17: {  	s31 =	sadd.s32 $0x80, s19;
	s24 =	sadd.s32 $0x5400, s22  }
0x18: {  	[tilespmem:s24], [sflag:$0x1] =	stream.linear.gather [hbm4b:s31+s3], $0x80, $0x38;
	[tilespmem:$0x15800] =	vst v63  }
0x19: {  	s25 =	sadd.s32 $0x100, s19;
	s26 =	sadd.s32 $0x5800, s22  }
0x1a: {  	[tilespmem:s26], [sflag:$0x1] =	stream.linear.gather [hbm4b:s25+s3], $0x80, $0x38;
	[tilespmem:$0x15800] =	vst v63  }
0x1b: {  	s28 =	sadd.s32 $0x180, s19;
	s29 =	sadd.s32 $0x5C00, s22  }
0x1c: {  	[tilespmem:s29], [sflag:$0x1] =	stream.linear.gather [hbm4b:s28+s3], $0x80, $0x38;
	[tilespmem:$0x15800] =	vst v63  }
0x1d: {  	s30 =	sadd.s32 $0x200, s19;
	s21 =	sadd.s32 $0x400, s21;
	s31 =	sadd.s32 $0x6000, s22  }
0x1e: {  	[tilespmem:s31], [sflag:$0x1] =	stream.linear.gather [hbm4b:s30+s3], $0x80, $0x38;
	[tilespmem:$0x15800] =	vst v63  }
0x1f: {  	s31 =	sadd.s32 s21, s9  }
0x20: {  	s25 =	sadd.s32 $0x280, s19;
	s26 =	sadd.s32 $0x6400, s22;
	p0 =	sne.s32 s31, $0x0  }
0x21: {  	[tilespmem:s26], [sflag:$0x1] =	stream.linear.gather [hbm4b:s25+s3], $0x80, $0x38;
	[tilespmem:$0x15800] =	vst v63  }
.Ltmp0:
0x22: {  	_ = 	snop;
	(pc) =	sbr.rel @p0 .LBB2_2-.Ltmp0, $4  }
0x23: {  	s20 =	sadd.s32 $0x80, s20;
	s28 =	sadd.s32 $0x300, s19;
	s29 =	sadd.s32 $0x6800, s22  }
0x24: {  	[tilespmem:s29], [sflag:$0x1] =	stream.linear.gather [hbm4b:s28+s3], $0x80, $0x38;
	[tilespmem:$0x15800] =	vst v63  }
0x25: {  	s22 =	sadd.s32 $0x6C00, s22;
	s30 =	sadd.s32 $0x380, s19;
	s19 =	sadd.s32 $0x9D00, s19  }
0x26: {  	[tilespmem:s22], [sflag:$0x1] =	stream.linear.gather [hbm4b:s30+s3], $0x80, $0x38;
	[tilespmem:$0x15800] =	vst v63  }
0x27: {  	_ =	swait.ge [sflag:s14], $0x1000  }
0x28: {  	[sflag:s14] =	ssyncset.done $0x0  }
0x29: {  	[sflag:s14] =	ssyncadd.s32 $0xFFFFF000  }
0x2a: {  	[tilespmem:$0x4E80] =	vst v0  }
0x2b: {  	[tilespmem:$0x4E90] =	vst v0  }
0x2c: {  	[tilespmem:$0x4EA0] =	vst v0  }
0x2d: {  	[tilespmem:$0x4EB0] =	vst v0  }
0x2e: {  	[tilespmem:$0x4EC0] =	vst v0  }
0x2f: {  	[tilespmem:$0x4ED0] =	vst v0  }
0x30: {  	[tilespmem:$0x4EE0] =	vst v0  }
0x31: {  	[tilespmem:$0x4EF0] =	vst v0  }
0x32: {  	[tilespmem:$0x4F00] =	vst v0  }
0x33: {  	[tilespmem:$0x4F10] =	vst v0  }
0x34: {  	[tilespmem:$0x4F20] =	vst v0  }
0x35: {  	[tilespmem:$0x4F30] =	vst v0  }
0x36: {  	[tilespmem:$0x4F40] =	vst v0  }
0x37: {  	[tilespmem:$0x4F50] =	vst v0  }
0x38: {  	[tilespmem:$0x4F60] =	vst v0  }
.Ltmp1:
0x39: {  	[tilespmem:$0x4F70] =	vst v0;
	(pc) =	sbr.rel .LBB2_4-.Ltmp1, $4  }
0x3a: {  	[tilespmem:$0x4F80] =	vst v0  }
0x3b: {  	[tilespmem:$0x4F90] =	vst v0  }
0x3c: {  	s20 =	simm.s32 $0x0;
	[tilespmem:$0x4FA0] =	vst v0  }
0x3d: {  	s21 =	simm.s32 $0x0;
	s19 =	simm.s32 $0x0;
	s22 =	simm.s32 $0x0;
	[tilespmem:$0x4FB0] =	vst v0  }
.LBB2_8:
0x3e: {  	s22 =	sadd.s32 $0x1, s22  }
0x3f: {  	p0 =	sne.s32 s22, $0x4  }
.Ltmp2:
0x40: {  	_ = 	snop;
	(pc) =	sbr.rel @!p0 .LBB2_9-.Ltmp2, $2  }
0x41: {  	_ =	sdelay $0x2  }
0x42: {  	s21 =	sadd.s32 $0x400, s21  }
.LBB2_4:
0x43: {  	p0 =	sgt.s32 s19, $0x12B  }
.Ltmp3:
0x44: {  	_ = 	snop;
	(pc) =	sbr.rel @p0 .LBB2_8-.Ltmp3, $1  }
0x45: {  	_ =	sdelay $0x3  }
0x46: {  	s23 =	sadd.s32 $0x0, s21  }
0x47: {  	s25 =	sand.u32 $0x70, s20;
	s24 =	sand.u32 $0xF80, s23  }
0x48: {  	s24 =	sor.u32 s25, s24  }
0x49: {  	v2 =	vld [tilespmem:s24+$0x0];
	_ =	sdelay $0x4  }
0x4a: {  	vm0 =	vgt.f32 v2, $2.500000000e-01  }
0x4b: {  	v2 =	vmpcnt.ones.xlane vm0;
	_ =	sdelay $0x1  }
0x4c: {  	(v2sf) =	vpush v2, $0x0;
	_ =	sdelay $0x2  }
0x4d: {  	p0 =	slt.s32 s19, $0x12C;
	s25 =	smov.u32 s19  }
0x4e: {  	v3 =	vor.u32 s23, v1;
	s25 =	simm.s32 @!p0 $0x12C  }
0x4f: {  	s23 =	sadd.s32 $0x10, s21;
	s24 =	simm.s32 $0x10;
	[tilespmem:s25+$0x4E80] =	vst.msk vm0, v3;
	s25 =	simm.s32 $0x20  }
.LBB2_6:
0x50: {  	p0 =	sne.s32 s25, $0x3F0;
	s26 =	sand.u32 $0xF80, s23;
	s24 =	sand.u32 $0x70, s24  }
0x51: {  	s26 =	sor.u32 s24, s26;
	s24 =	smov.u32 s25  }
0x52: {  	v2 =	vld [tilespmem:s26+$0x0];
	_ =	sdelay $0x4  }
0x53: {  	vm0 =	vgt.f32 v2, $2.500000000e-01  }
0x54: {  	v2 =	vmpcnt.ones.xlane vm0  }
0x55: {  	s26 =	spop (v2sf)  }
0x56: {  	(v2sf) =	vpush v2, $0x0;
	s19 =	sadd.s32 s19, s26  }
.Ltmp4:
0x57: {  	p1 =	slt.s32 s19, $0x12C;
	s26 =	smov.u32 s19;
	(pc) =	sbr.rel @p0 .LBB2_6-.Ltmp4, $3  }
0x58: {  	v2 =	vor.u32 s23, v1;
	s26 =	simm.s32 @!p1 $0x12C  }
0x59: {  	[tilespmem:s26+$0x4E80] =	vst.msk vm0, v2;
	_ =	sdelay $0x1  }
0x5a: {  	s25 =	sadd.s32 $0x10, s25;
	s23 =	sadd.s32 s24, s21  }
0x5b: {  	s25 =	sand.u32 $0xF80, s23;
	s24 =	sand.u32 $0x70, s24  }
0x5c: {  	s24 =	sor.u32 s24, s25  }
0x5d: {  	v2 =	vld [tilespmem:s24+$0x0];
	_ =	sdelay $0x4  }
0x5e: {  	vm0 =	vgt.f32 v2, $2.500000000e-01  }
0x5f: {  	v2 =	vmpcnt.ones.xlane vm0;
	_ =	sdelay $0x1  }
0x60: {  	(v2sf) =	vpush v2, $0x0;
	_ =	sdelay $0xb  }
.Ltmp5:
0x61: {  	s30 =	spop (v2sf);
	(pc) =	sbr.rel .LBB2_8-.Ltmp5, $4  }
0x62: {  	s19 =	sadd.s32 s19, s30  }
0x63: {  	p0 =	slt.s32 s19, $0x12C;
	s24 =	smov.u32 s19  }
0x64: {  	v2 =	vor.u32 s23, v1;
	s24 =	simm.s32 @!p0 $0x12C;
	s31 =	spop (v2sf)  }
0x65: {  	[tilespmem:s24+$0x4E80] =	vst.msk vm0, v2;
	s19 =	sadd.s32 s19, s31  }
.LBB2_9:
0x66: {  	p0 =	sgt.s32 s19, $0x12B  }
.Ltmp6:
0x67: {  	_ = 	snop;
	(pc) =	sbr.rel @p0 .LBB2_20-.Ltmp6, $1  }
0x68: {  	_ =	sdelay $0x3  }
0x69: {  	[tilespmem:s3], [sflag:$0x4] =	stream.strided.gather [hbm4b:s7+s12], $0x4E80, s13, s12, $0x38;
	[tilespmem:$0x15800] =	vst v63  }
.Ltmp7:
0x6a: {  	_ = 	snop;
	(pc) =	sbr.rel .LBB2_11-.Ltmp7, $4  }
0x6b: {  	s20 =	simm.s32 $0x4  }
0x6c: {  	_ =	swait.ge [sflag:s20], $0x4E80  }
0x6d: {  	[sflag:s20] =	ssyncset.done $0x0  }
0x6e: {  	s21 =	simm.s32 $0x1000;
	[sflag:s20] =	ssyncadd.s32 $0xFFFFB180  }
.LBB2_15:
0x6f: {  	s20 =	sadd.s32 $0x1, s20  }
0x70: {  	p0 =	sne.s32 s20, $0x13  }
.Ltmp8:
0x71: {  	_ = 	snop;
	(pc) =	sbr.rel @!p0 .LBB2_16-.Ltmp8, $2  }
0x72: {  	_ =	sdelay $0x2  }
0x73: {  	s21 =	sadd.s32 $0x400, s21  }
.LBB2_11:
0x74: {  	p0 =	sgt.s32 s19, $0x12B  }
.Ltmp9:
0x75: {  	_ = 	snop;
	(pc) =	sbr.rel @p0 .LBB2_15-.Ltmp9, $2  }
0x76: {  	_ =	sdelay $0x2  }
0x77: {  	s22 =	simm.s32 $0x0  }
0x78: {  	s23 =	sadd.s32 $0x0, s21  }
0x79: {  	s22 =	sand.u32 $0x70, s22;
	s24 =	sand.u32 $0x7F80, s23  }
0x7a: {  	s22 =	sor.u32 s22, s24  }
0x7b: {  	v2 =	vld [tilespmem:s22+$0x0];
	_ =	sdelay $0x4  }
0x7c: {  	vm0 =	vgt.f32 v2, $2.500000000e-01  }
0x7d: {  	v2 =	vmpcnt.ones.xlane vm0;
	_ =	sdelay $0x1  }
0x7e: {  	(v2sf) =	vpush v2, $0x0;
	_ =	sdelay $0x2  }
0x7f: {  	p0 =	slt.s32 s19, $0x12C;
	s22 =	smov.u32 s19  }
0x80: {  	v3 =	vor.u32 s23, v1;
	s22 =	simm.s32 @!p0 $0x12C  }
0x81: {  	s23 =	simm.s32 $0x10;
	s24 =	simm.s32 $0x20;
	[tilespmem:s22+$0x4E80] =	vst.msk vm0, v3;
	s22 =	sadd.s32 $0x10, s21  }
.LBB2_13:
0x82: {  	p0 =	sne.s32 s24, $0x3F0;
	s25 =	sand.u32 $0x7F80, s22;
	s23 =	sand.u32 $0x70, s23  }
0x83: {  	s25 =	sor.u32 s23, s25;
	s23 =	smov.u32 s24  }
0x84: {  	v2 =	vld [tilespmem:s25+$0x0];
	_ =	sdelay $0x4  }
0x85: {  	vm0 =	vgt.f32 v2, $2.500000000e-01  }
0x86: {  	v2 =	vmpcnt.ones.xlane vm0  }
0x87: {  	s25 =	spop (v2sf)  }
0x88: {  	(v2sf) =	vpush v2, $0x0;
	s19 =	sadd.s32 s19, s25  }
.Ltmp10:
0x89: {  	p1 =	slt.s32 s19, $0x12C;
	s25 =	smov.u32 s19;
	(pc) =	sbr.rel @p0 .LBB2_13-.Ltmp10, $3  }
0x8a: {  	v2 =	vor.u32 s22, v1;
	s25 =	simm.s32 @!p1 $0x12C  }
0x8b: {  	[tilespmem:s25+$0x4E80] =	vst.msk vm0, v2;
	_ =	sdelay $0x1  }
0x8c: {  	s24 =	sadd.s32 $0x10, s24;
	s22 =	sadd.s32 s23, s21  }
0x8d: {  	s24 =	sand.u32 $0x7F80, s22;
	s23 =	sand.u32 $0x70, s23  }
0x8e: {  	s23 =	sor.u32 s23, s24  }
0x8f: {  	v2 =	vld [tilespmem:s23+$0x0];
	_ =	sdelay $0x4  }
0x90: {  	vm0 =	vgt.f32 v2, $2.500000000e-01  }
0x91: {  	v2 =	vmpcnt.ones.xlane vm0;
	_ =	sdelay $0x1  }
0x92: {  	(v2sf) =	vpush v2, $0x0;
	_ =	sdelay $0xb  }
.Ltmp11:
0x93: {  	s30 =	spop (v2sf);
	(pc) =	sbr.rel .LBB2_15-.Ltmp11, $4  }
0x94: {  	s19 =	sadd.s32 s19, s30  }
0x95: {  	p0 =	slt.s32 s19, $0x12C;
	s23 =	smov.u32 s19  }
0x96: {  	v2 =	vor.u32 s22, v1;
	s23 =	simm.s32 @!p0 $0x12C;
	s31 =	spop (v2sf)  }
0x97: {  	[tilespmem:s23+$0x4E80] =	vst.msk vm0, v2;
	s19 =	sadd.s32 s19, s31  }
.LBB2_16:
0x98: {  	p0 =	sgt.s32 s19, $0x12B  }
.Ltmp12:
0x99: {  	_ = 	snop;
	(pc) =	sbr.rel @p0 .LBB2_20-.Ltmp12, $2  }
0x9a: {  	_ =	sdelay $0x2  }
0x9b: {  	s20 =	simm.s32 $0x0  }
0x9c: {  	s21 =	simm.s32 $0x4C00  }
0x9d: {  	s20 =	sand.u32 $0x70, s20;
	s22 =	sand.u32 $0x4F80, s21  }
0x9e: {  	s20 =	sor.u32 s20, s22  }
0x9f: {  	v2 =	vld [tilespmem:s20+$0x0];
	_ =	sdelay $0x4  }
0xa0: {  	vm0 =	vgt.f32 v2, $2.500000000e-01  }
0xa1: {  	v2 =	vmpcnt.ones.xlane vm0;
	_ =	sdelay $0x1  }
0xa2: {  	(v2sf) =	vpush v2, $0x0;
	_ =	sdelay $0x2  }
0xa3: {  	p0 =	slt.s32 s19, $0x12C;
	s20 =	smov.u32 s19  }
0xa4: {  	v3 =	vor.u32 s21, v1;
	s20 =	simm.s32 @!p0 $0x12C  }
0xa5: {  	s21 =	simm.s32 $0x10;
	s22 =	simm.s32 $0x20;
	[tilespmem:s20+$0x4E80] =	vst.msk vm0, v3;
	s20 =	simm.s32 $0x4C10  }
.LBB2_18:
0xa6: {  	p0 =	sne.s32 s22, $0x210;
	s23 =	sand.u32 $0x4F80, s20;
	s21 =	sand.u32 $0x70, s21  }
0xa7: {  	s23 =	sor.u32 s21, s23;
	s21 =	smov.u32 s22  }
0xa8: {  	v2 =	vld [tilespmem:s23+$0x0];
	_ =	sdelay $0x4  }
0xa9: {  	vm0 =	vgt.f32 v2, $2.500000000e-01  }
0xaa: {  	v2 =	vmpcnt.ones.xlane vm0  }
0xab: {  	s23 =	spop (v2sf)  }
0xac: {  	(v2sf) =	vpush v2, $0x0;
	s19 =	sadd.s32 s19, s23  }
.Ltmp13:
0xad: {  	p1 =	slt.s32 s19, $0x12C;
	s23 =	smov.u32 s19;
	(pc) =	sbr.rel @p0 .LBB2_18-.Ltmp13, $3  }
0xae: {  	v2 =	vor.u32 s20, v1;
	s23 =	simm.s32 @!p1 $0x12C  }
0xaf: {  	[tilespmem:s23+$0x4E80] =	vst.msk vm0, v2;
	_ =	sdelay $0x1  }
0xb0: {  	s22 =	sadd.s32 $0x10, s22;
	s20 =	sadd.s32 $0x4C00, s21  }
0xb1: {  	s22 =	sand.u32 $0x4F80, s20;
	s21 =	sand.u32 $0x70, s21  }
0xb2: {  	s21 =	sor.u32 s21, s22  }
0xb3: {  	v2 =	vld [tilespmem:s21+$0x0];
	_ =	sdelay $0x4  }
0xb4: {  	vm0 =	vgt.f32 v2, $2.500000000e-01  }
0xb5: {  	v2 =	vmpcnt.ones.xlane vm0;
	_ =	sdelay $0x1  }
0xb6: {  	(v2sf) =	vpush v2, $0x0;
	_ =	sdelay $0xb  }
0xb7: {  	s30 =	spop (v2sf)  }
0xb8: {  	s19 =	sadd.s32 s19, s30  }
0xb9: {  	p0 =	slt.s32 s19, $0x12C;
	s21 =	smov.u32 s19  }
0xba: {  	v2 =	vor.u32 s20, v1;
	s21 =	simm.s32 @!p0 $0x12C;
	s31 =	spop (v2sf)  }
0xbb: {  	[tilespmem:s21+$0x4E80] =	vst.msk vm0, v2;
	s19 =	sadd.s32 s19, s31  }
.LBB2_20:
0xbc: {  	p0 =	slt.s32 s19, $0x12C  }
0xbd: {  	s19 =	simm.s32 @!p0 $0x12C  }
0xbe: {  	s20 =	sadd.s32 $0xFFFFFFFF, s19  }
0xbf: {  	p0 =	sgt.s32 s20, $0x0  }
0xc0: {  	s20 =	simm.s32 @!p0 $0x0;
	p0 =	seq.s32 s6, $0x1  }
.Ltmp14:
0xc1: {  	_ = 	snop;
	(pc) =	sbr.rel @p0 .LBB2_22-.Ltmp14, $3  }
0xc2: {  	_ =	sdelay $0x1  }
0xc3: {  	v3 =	vld [tilespmem:s20+$0x4E80];
	_ =	swait.ge [sflag:s15], $0x400  }
0xc4: {  	s20 =	sadd.s32 $0xFFFFFFFF, s6;
	[sflag:s15] =	ssyncset.done $0x0  }
.LBB2_21:
0xc5: {  	p0 =	seq.s32 s20, $0x1;
	s20 =	sadd.s32 $0xFFFFFFFF, s20;
	[sflag:s15] =	ssyncadd.s32 $0xFFFFFC00  }
.Ltmp15:
0xc6: {  	(pc) =	sbr.rel @!p0 .LBB2_21-.Ltmp15, $3  }
0xc7: {  	_ =	sdelay $0x1  }
0xc8: {  	_ =	swait.ge [sflag:s15], $0x400  }
0xc9: {  	[sflag:s15] =	ssyncset.done $0x0  }
.LBB2_22:
0xca: {  	[sflag:s15] =	ssyncadd.s32 $0xFFFFFC00;
	v2 =	vmov s19;
	s19 =	simm.s32 $0x0;
	s20 =	simm.s32 $0x0  }
.LBB2_23:
0xcb: {  	s21 =	sshll.u32 s20, $0x4  }
0xcc: {  	v4 =	vld [tilespmem:s21+$0x4E80];
	_ =	sdelay $0x3  }
0xcd: {  	v6 =	vmov s19  }
0xce: {  	v7 =	vor.u32 s21, v1;
	v8 =	vshll.u32 v6, $0xA;
	v5 =	vshll.u32 v4, $0x3  }
0xcf: {  	p1 =	sne.s32 s6, $0x1;
	v6 =	vshll.u32 v6, $0x7;
	v8 =	vand.u32 $0xFFFFE000, v8;
	v5 =	vand.u32 $0xFFFFFC00, v5  }
.Ltmp16:
0xd0: {  	s23 =	sand.u32 $0x70, s21;
	vm0 =	vlt.s32 v7, v2;
	vm1 =	vlt.s32 v4, $0x400;
	v7 =	vadd.s32 v5, v8;
	(pc) =	sbr.rel @!p1 .LBB2_24-.Ltmp16, $4  }
0xd1: {  	v8 =	vand.u32 $0x380, v6;
	v6 =	vand.u32 $0x7F, v4;
	v4 =	vmov s23  }
0xd2: {  	s22 =	sshll.u32 s20, $0x7  }
0xd3: {  	s31 =	sand.u32 $0xC00, s22;
	v7 =	vor.u32 v8, v7  }
0xd4: {  	p0 =	por $0x0, $0x0;
	s22 =	simm.s32 $0x1;
	s21 =	sor.u32 $0x11000, s31;
	vm0 =	vmand vm0, vm1;
	v7 =	vor.u32 v6, v7  }
0xd5: {  	_ =	sdelay $0x1  }
0xd6: {  	v8 =	vmov s22  }
0xd7: {  	v9 =	vshll.u32 v8, $0xA  }
0xd8: {  	p1 =	sne.s32 s6, $0x2;
	v8 =	vshll.u32 v8, $0x7;
	v9 =	vand.u32 $0xFFFFE000, v9  }
.Ltmp17:
0xd9: {  	s23 =	simm.s32 $0x0;
	v10 =	vand.u32 $0x380, v8;
	v8 =	vld.idx.msk [tilespmem:v7+s16+$0x0], vm0;
	v9 =	vadd.s32 v5, v9;
	(pc) =	sbr.rel @!p1 .LBB2_26-.Ltmp17, $4  }
0xda: {  	s23 =	smul.u32 $0x3000, s23;
	v7 =	vor.u32 v10, v9  }
0xdb: {  	v7 =	vor.u32 v6, v7  }
0xdc: {  	s24 =	simm.s32 $0x2;
	s25 =	sand.u32 $0x380, s19;
	s23 =	sshra.s32 s23, $0x2  }
0xdd: {  	p0 =	por $0x1, $0x1;
	s26 =	sadd.s32 s23, s21;
	s23 =	simm.s32 $0x0  }
.LBB2_27:
0xde: {  	v9 =	vmov s24;
	v8 =	vnsel vm0, $0x0, v8;
	s25 =	sadd.s32 s25, s26;
	s26 =	smov.u32 s24;
	s24 =	sadd.s32 $0x1, s24  }
0xdf: {  	v10 =	vshll.u32 v9, $0xA;
	p1 =	sne.s32 s6, s24;
	[tilespmem:v4+s25+$0x0 ss:$0x1] =	vst.idx.msk $0xffff, v8  }
0xe0: {  	v9 =	vshll.u32 v9, $0x7;
	v10 =	vand.u32 $0xFFFFE000, v10;
	v8 =	vld.idx.msk [tilespmem:v7+s16+$0x0], vm0  }
.Ltmp18:
0xe1: {  	s25 =	sshrl.u32 s22, $0x3;
	s22 =	smov.u32 s26;
	v9 =	vand.u32 $0x380, v9;
	v7 =	vadd.s32 v5, v10;
	(pc) =	sbr.rel @p1 .LBB2_27-.Ltmp18, $4  }
0xe2: {  	s25 =	smul.u32 $0x3000, s25;
	v7 =	vor.u32 v9, v7  }
0xe3: {  	v7 =	vor.u32 v6, v7  }
0xe4: {  	s23 =	sadd.s32 $0x80, s23;
	s26 =	sshra.s32 s25, $0x2  }
0xe5: {  	s25 =	sand.u32 $0x380, s23;
	s26 =	sadd.s32 s26, s21  }
.LBB2_28:
0xe6: {  	_ =	sdelay $0x2  }
0xe7: {  	v5 =	vnsel @p0 vm0, $0x0, v8;
	s24 =	sadd.s32 @p0 s25, s26  }
0xe8: {  	s22 =	sshrl.u32 s22, $0x3;
	[tilespmem:v4+s24+$0x0 ss:$0x1] =	vst.idx.msk @p0 $0xffff, v5  }
0xe9: {  	s23 =	sadd.s32 @p0 $0x80, s23;
	s20 =	sadd.s32 $0x1, s20;
	s24 =	simm.s32 $0x0;
	v5 =	vld.idx.msk [tilespmem:v7+s16+$0x0], vm0  }
0xea: {  	s22 =	smul.u32 $0x3000, s22;
	s24 =	smov.u32 @p0 s23;
	p0 =	sne.s32 s20, $0x13  }
.Ltmp19:
0xeb: {  	_ = 	snop;
	(pc) =	sbr.rel @p0 .LBB2_23-.Ltmp19, $4  }
.Ltmp20:
0xec: {  	s22 =	sshra.s32 s22, $0x2;
	(pc) =	sbr.rel @!p0 .LBB2_29-.Ltmp20, $4  }
0xed: {  	s23 =	sand.u32 $0x380, s24;
	s21 =	sadd.s32 s22, s21  }
0xee: {  	s21 =	sadd.s32 s23, s21;
	v5 =	vnsel vm0, $0x0, v5  }
0xef: {  	[tilespmem:v4+s21+$0x0 ss:$0x1] =	vst.idx.msk $0xffff, v5  }
0xf0: {  	_ = 	snop  }
.LBB2_24:
.Ltmp21:
0xf1: {  	(pc) =	sbr.rel .LBB2_28-.Ltmp21, $2  }
0xf2: {  	_ =	sdelay $0x2  }
0xf3: {  	s22 =	simm.s32 $0x0;
	s23 =	simm.s32 $0x0  }
.LBB2_26:
.Ltmp22:
0xf4: {  	(pc) =	sbr.rel .LBB2_28-.Ltmp22, $2  }
0xf5: {  	_ =	sdelay $0x2  }
0xf6: {  	s23 =	simm.s32 $0x0  }
.LBB2_29:
0xf7: {  	(v2sf) =	vpush v3, $0x0;
	_ =	sdelay $0xe  }
0xf8: {  	s19 =	spop (v2sf)  }
0xf9: {  	p0 =	slt.s32 s19, $0x400  }
.Ltmp23:
0xfa: {  	_ = 	snop;
	(pc) =	sbr.rel @p0 .LBB2_33-.Ltmp23, $2  }
0xfb: {  	_ =	sdelay $0x2  }
0xfc: {  	s20 =	simm.s32 $0x0;
	s19 =	simm.s32 $0x0  }
.LBB2_30:
0xfd: {  	s21 =	sadd.s32 s5, s20  }
0xfe: {  	s21 =	sshll.u32 s21, $0x4  }
0xff: {  	s21 =	sor.u32 s2, s21  }
0x100: {  	s21 =	sshrl.u32 s21, $0x3  }
0x101: {  	s21 =	smul.u32 $0x27400, s21;
	_ =	sdelay $0x1  }
0x102: {  	s21 =	sor.u32 s4, s21  }
0x103: {  	s21 =	sshrl.u32 s21, $0x3  }
0x104: {  	s21 =	sadd.s32 s1, s21  }
0x105: {  	[tilespmem:s19], [sflag:$0x2] =	stream.strided.gather [hbm4b:s21+s12], $0x4E80, s13, s12, $0x38;
	[tilespmem:$0x15800] =	vst v63  }
0x106: {  	_ =	swait.ge [sflag:s14], $0x4E80  }
0x107: {  	[sflag:s14] =	ssyncset.done $0x0  }
0x108: {  	s29 =	simm.s32 $0x4E80;
	[sflag:s14] =	ssyncadd.s32 $0xFFFFB180  }
0x109: {  	v3 =	vld [tilespmem:s29+$0x0];
	_ =	sdelay $0x2  }
0x10a: {  	s30 =	sshrl.u32 s20, $0x3  }
0x10b: {  	v4 =	vor.u32 s19, v1;
	s21 =	smul.u32 $0x3000, s30  }
0x10c: {  	s22 =	sshll.u32 s20, $0x7;
	vm0 =	vlt.s32 v4, v2;
	vm1 =	vgt.s32 v3, $0x3FF  }
0x10d: {  	s22 =	sand.u32 $0x380, s22;
	s21 =	sshra.s32 s21, $0x2;
	vm0 =	vmand vm0, vm1  }
0x10e: {  	s21 =	sor.u32 s22, s21  }
0x10f: {  	s31 =	sand.u32 $0xC00, s19;
	s21 =	sadd.s32 $0x11000, s21  }
0x110: {  	s23 =	sand.u32 $0x70, s19;
	s22 =	sadd.s32 s31, s21  }
0x111: {  	s22 =	sadd.s32 s23, s22  }
0x112: {  	v4 =	vld [tilespmem:s22+$0x0]  }
0x113: {  	v3 =	vld.idx.msk [tilespmem:v3+s3+$0x0], vm0;
	_ =	sdelay $0x4  }
0x114: {  	v3 =	vsel vm0, v3, v4  }
0x115: {  	s24 =	simm.s32 $0x4E90;
	[tilespmem:s22+$0x0] =	vst v3  }
0x116: {  	s25 =	simm.s32 $0x20;
	s23 =	simm.s32 $0x0;
	s22 =	simm.s32 $0x10;
	v3 =	vld [tilespmem:s24+$0x0]  }
.LBB2_31:
0x117: {  	p0 =	sne.s32 s25, $0x120;
	_ =	sdelay $0x2  }
0x118: {  	v4 =	vor.u32 s22, v1  }
0x119: {  	vm0 =	vlt.s32 v4, v2;
	vm1 =	vgt.s32 v3, $0x3FF  }
0x11a: {  	vm0 =	vmand vm0, vm1;
	_ =	sdelay $0x2  }
0x11b: {  	s23 =	sadd.s32 $0x80, s23  }
0x11c: {  	s26 =	sand.u32 $0xC00, s23  }
0x11d: {  	s28 =	sand.u32 $0x70, s22;
	s22 =	smov.u32 s25;
	s26 =	sadd.s32 s26, s21  }
0x11e: {  	s26 =	sadd.s32 s28, s26;
	v3 =	vld.idx.msk [tilespmem:v3+s3+$0x0], vm0  }
0x11f: {  	v4 =	vld [tilespmem:s26+$0x0];
	_ =	sdelay $0x2  }
.Ltmp24:
0x120: {  	(pc) =	sbr.rel @p0 .LBB2_31-.Ltmp24, $4  }
0x121: {  	_ = 	snop  }
0x122: {  	v3 =	vsel vm0, v3, v4  }
0x123: {  	s24 =	sadd.s32 $0x10, s24;
	[tilespmem:s26+$0x0] =	vst v3  }
0x124: {  	s25 =	sadd.s32 $0x10, s25;
	v3 =	vld [tilespmem:s24+$0x0]  }
0x125: {  	_ =	sdelay $0x2  }
0x126: {  	v4 =	vor.u32 s22, v1  }
0x127: {  	vm0 =	vlt.s32 v4, v2;
	vm1 =	vgt.s32 v3, $0x3FF  }
0x128: {  	vm0 =	vmand vm0, vm1  }
0x129: {  	s23 =	sadd.s32 $0x80, s23  }
0x12a: {  	s23 =	sand.u32 $0xC00, s23  }
0x12b: {  	s31 =	sand.u32 $0x70, s22;
	s21 =	sadd.s32 s23, s21  }
0x12c: {  	s21 =	sadd.s32 s31, s21  }
0x12d: {  	v63 =	vld [tilespmem:s21+$0x0]  }
0x12e: {  	s20 =	sadd.s32 $0x1, s20;
	v3 =	vld.idx.msk [tilespmem:v3+s3+$0x0], vm0  }
0x12f: {  	p0 =	sne.s32 s20, s6  }
.Ltmp25:
0x130: {  	_ = 	snop;
	(pc) =	sbr.rel @p0 .LBB2_30-.Ltmp25, $3  }
0x131: {  	_ =	sdelay $0x1  }
0x132: {  	v3 =	vsel vm0, v3, v63  }
0x133: {  	[tilespmem:s21+$0x0] =	vst v3  }
.LBB2_33:
0x134: {  	p1 =	sne.s32 s6, $0x1  }
.Ltmp26:
0x135: {  	s19 =	simm.s32 $0x0;
	(pc) =	sbr.rel @!p1 .LBB2_34-.Ltmp26, $4  }
0x136: {  	s19 =	smul.u32 $0x3000, s19  }
0x137: {  	s20 =	simm.s32 $0x0  }
0x138: {  	s20 =	sand.u32 $0x380, s20;
	s19 =	sshra.s32 s19, $0x2  }
0x139: {  	p0 =	por $0x0, $0x0;
	s22 =	sor.u32 s20, s19;
	s19 =	simm.s32 $0x80  }
0x13a: {  	s20 =	simm.s32 $0x0  }
0x13b: {  	s21 =	sadd.s32 $0x11000, s22;
	s23 =	sadd.s32 $0x80, s11;
	s30 =	sand.u32 $0x380, s19  }
0x13c: {  	[hbm4b:s11+s3] =	stream.linear.scatter [tilespmem:s21], [sflag:$0x3], $0x80, $0x38;
	[tilespmem:$0x15800] =	vst v63  }
0x13d: {  	s31 =	sadd.s32 $0x100, s11;
	p1 =	sne.s32 s6, $0x2;
	s20 =	smul.u32 $0x3000, s20  }
.Ltmp27:
0x13e: {  	s19 =	simm.s32 $0x2;
	s22 =	sadd.s32 $0x400, s21;
	(pc) =	sbr.rel @!p1 .LBB2_36-.Ltmp27, $4  }
0x13f: {  	[hbm4b:s23+s3] =	stream.linear.scatter [tilespmem:s22], [sflag:$0x3], $0x80, $0x38;
	[tilespmem:$0x15800] =	vst v63  }
0x140: {  	p0 =	por $0x1, $0x1;
	s21 =	sadd.s32 $0x800, s21;
	s20 =	sshra.s32 s20, $0x2  }
0x141: {  	[hbm4b:s31+s3] =	stream.linear.scatter [tilespmem:s21], [sflag:$0x3], $0x80, $0x38;
	[tilespmem:$0x15800] =	vst v63  }
0x142: {  	s22 =	sor.u32 s30, s20;
	s20 =	smov.u32 s11;
	s21 =	simm.s32 $0x100  }
.LBB2_37:
0x143: {  	s23 =	sshrl.u32 s19, $0x3;
	s22 =	sadd.s32 $0x11000, s22;
	s20 =	sadd.s32 $0x300, s20  }
0x144: {  	[hbm4b:s20+s3] =	stream.linear.scatter [tilespmem:s22], [sflag:$0x3], $0x80, $0x38;
	[tilespmem:$0x15800] =	vst v63  }
0x145: {  	s19 =	sadd.s32 $0x1, s19;
	s23 =	smul.u32 $0x3000, s23  }
0x146: {  	s24 =	sadd.s32 $0x400, s22;
	s25 =	sadd.s32 $0x80, s20;
	p1 =	sne.s32 s6, s19  }
0x147: {  	[hbm4b:s25+s3] =	stream.linear.scatter [tilespmem:s24], [sflag:$0x3], $0x80, $0x38;
	[tilespmem:$0x15800] =	vst v63  }
.Ltmp28:
0x148: {  	_ = 	snop;
	(pc) =	sbr.rel @p1 .LBB2_37-.Ltmp28, $4  }
0x149: {  	s24 =	sand.u32 $0x380, s21;
	s25 =	sadd.s32 $0x100, s20  }
0x14a: {  	s22 =	sadd.s32 $0x800, s22;
	s23 =	sshra.s32 s23, $0x2  }
0x14b: {  	[hbm4b:s25+s3] =	stream.linear.scatter [tilespmem:s22], [sflag:$0x3], $0x80, $0x38;
	[tilespmem:$0x15800] =	vst v63  }
0x14c: {  	s21 =	sadd.s32 $0x80, s21;
	s22 =	sor.u32 s24, s23  }
.LBB2_38:
0x14d: {  	s19 =	sadd.s32 @p0 $0x300, s20;
	s20 =	smov.u32 s11  }
0x14e: {  	s21 =	sadd.s32 $0x11000, s22;
	s20 =	smov.u32 @p0 s19  }
0x14f: {  	[hbm4b:s20+s3] =	stream.linear.scatter [tilespmem:s21], [sflag:$0x3], $0x80, $0x38;
	[tilespmem:$0x15800] =	vst v63  }
0x150: {  	s28 =	sadd.s32 $0x400, s21;
	p0 =	sne.s32 s6, $0x1;
	s29 =	sadd.s32 $0x80, s20  }
0x151: {  	[hbm4b:s29+s3] =	stream.linear.scatter [tilespmem:s28], [sflag:$0x3], $0x80, $0x38;
	[tilespmem:$0x15800] =	vst v63  }
.Ltmp29:
0x152: {  	_ = 	snop;
	(pc) =	sbr.rel @!p0 .LBB2_40-.Ltmp29, $4  }
0x153: {  	s31 =	sadd.s32 $0x800, s21;
	s30 =	sadd.s32 $0x100, s20  }
0x154: {  	[hbm4b:s30+s3] =	stream.linear.scatter [tilespmem:s31], [sflag:$0x3], $0x80, $0x38;
	[tilespmem:$0x15800] =	vst v63  }
0x155: {  	_ =	swait.ge [sflag:s17], $0x180  }
0x156: {  	s19 =	sadd.s32 $0xFFFFFFFF, s6;
	[sflag:s17] =	ssyncset.done $0x0  }
.LBB2_39:
0x157: {  	p0 =	sne.s32 s19, $0x1;
	s19 =	sadd.s32 $0xFFFFFFFF, s19;
	[sflag:s17] =	ssyncadd.s32 $0xFFFFFE80  }
.Ltmp30:
0x158: {  	(pc) =	sbr.rel @p0 .LBB2_39-.Ltmp30, $3  }
0x159: {  	_ =	sdelay $0x1  }
0x15a: {  	_ =	swait.ge [sflag:s17], $0x180  }
0x15b: {  	[sflag:s17] =	ssyncset.done $0x0  }
.LBB2_40:
0x15c: {  	s18 =	sadd.s32 $0x1, s18  }
0x15d: {  	p0 =	sne.s32 s18, s8  }
.Ltmp31:
0x15e: {  	_ = 	snop;
	(pc) =	sbr.rel @p0 .LBB2_1-.Ltmp31, $4  }
.Ltmp32:
0x15f: {  	_ = 	snop;
	(pc) =	sbr.rel @!p0 .LBB2_41-.Ltmp32, $4  }
0x160: {  	_ = 	snop  }
0x161: {  	_ = 	snop  }
0x162: {  	[sflag:s17] =	ssyncadd.s32 $0xFFFFFE80  }
0x163: {  	_ = 	snop  }
.LBB2_34:
.Ltmp33:
0x164: {  	(pc) =	sbr.rel .LBB2_38-.Ltmp33, $2  }
0x165: {  	_ =	sdelay $0x2  }
0x166: {  	s20 =	smov.u32 s11  }
.LBB2_36:
.Ltmp34:
0x167: {  	(pc) =	sbr.rel .LBB2_38-.Ltmp34, $2  }
0x168: {  	_ =	sdelay $0x2  }
0x169: {  	s20 =	smov.u32 s11  }
.LBB2_41:
0x16a: {  	_ =	sfence.sel $0x180000  }
0x16b: {  	[bflag:$0x0] =	sbarrier.arrive $0xFFFF  }
0x16c: {  	p0 =	sne.s32 s2, $0x0;
	_ =	strace $0x90000047  }
0x16d: {  	s0 =	sadd.s32 @!p0 $0x100000, s0;
	[bflag:$0x2] =	sbarrier.arrive $0xFFFF  }
0x16e: {  	[sflag:s0] =	ssyncadd.tile.s32 @!p0 $0x1;
	_ =	shalt  }
.Lfunc_end2:
_tile_overlayer_lowered:
.L_overlay_start_2:
0x16f: {  	(tag) =	ssettag $0x2  }
0x170: {  	s0 =	rddreg [dreg:$0x0];
	s2 =	stileid.u32  }
0x171: {  	s1 =	rddreg [dreg:$0x1];
	p0 =	sne.s32 s2, $0x0  }
0x172: {  	s3 =	rddreg [dreg:$0x2];
	[bflag:$0x3] =	sbarrier.arrive $0xFFFF;
	s2 =	simm.s32 @!p0 $0x1C04  }
0x173: {  	[timem:s3], [sflag:s2] =	dma.local @!p0 [hbm:s0], s1  }
0x174: {  	s0 =	simm.s32 @!p0 $0x4  }
0x175: {  	_ =	swait.ge @!p0 [sflag:s0], s1  }
0x176: {  	s1 =	ssub.s32 @!p0 $0x0, s1;
	[sflag:s0] =	ssyncset.done @!p0 $0x0  }
0x177: {  	[sflag:s0] =	ssyncadd.s32 @!p0 s1  }
0x178: {  	[bflag:$0x3] =	sbarrier.arrive $0xFFFF  }
0x179: {  	_ =	shalt  }

</sc_bundles>
